<compile_context>
chip_gen: v7x
topology: tpu7x:2x2x1
jax: 0.10.2.dev20260603
libtpu: 0.0.44.dev20260713+nightly
codegen_flags: <defaults>
</compile_context>

<pallas_src>
import functools

import jax
import jax.numpy as jnp
from jax import lax
from jax.experimental import pallas as pl
from jax.experimental.pallas import tpu as pltpu
from jax.experimental.pallas import tpu_sc as plsc

D_MODEL = 1024
B_TOTAL = 16384
LANES = 16
VECS_PER_ROW = D_MODEL // LANES

_info = plsc.get_sparse_core_info()
NW = _info.num_cores * _info.num_subcores
B_PER_W = B_TOTAL // NW
CHUNK = 16
N_CHUNKS = B_PER_W // CHUNK
W_PER_ROW = 4096 // B_PER_W
NBUF = 4
LEAD = 2

_mesh = plsc.VectorSubcoreMesh(core_axis_name="c", subcore_axis_name="s")


@functools.partial(
    pl.kernel,
    mesh=_mesh,
    out_type=jax.ShapeDtypeStruct((B_TOTAL, D_MODEL), jnp.float32),
    scratch_types=[
        pltpu.VMEM((B_PER_W,), jnp.int32),
        pltpu.VMEM((CHUNK, D_MODEL), jnp.float32),
        pltpu.VMEM((CHUNK, D_MODEL), jnp.float32),
        pltpu.VMEM((CHUNK, D_MODEL), jnp.float32),
        pltpu.VMEM((CHUNK, D_MODEL), jnp.float32),
        pltpu.VMEM((LANES,), jnp.float32),
        pltpu.SemaphoreType.DMA,
        pltpu.SemaphoreType.DMA,
        pltpu.SemaphoreType.DMA,
        pltpu.SemaphoreType.DMA,
        pltpu.SemaphoreType.DMA,
        pltpu.SemaphoreType.DMA,
        pltpu.SemaphoreType.DMA,
        pltpu.SemaphoreType.DMA,
    ],
)
def _gather_scale(table_hbm, idx_hbm, w_hbm, out_hbm,
                  idx_all, rows0, rows1, rows2, rows3, w_v,
                  gsem0, gsem1, gsem2, gsem3,
                  ssem0, ssem1, ssem2, ssem3):
    wid = lax.axis_index("s") * _info.num_cores + lax.axis_index("c")
    base = wid * B_PER_W
    pltpu.sync_copy(
        idx_hbm.at[wid // W_PER_ROW, pl.ds((wid % W_PER_ROW) * B_PER_W, B_PER_W)],
        idx_all)
    pltpu.sync_copy(w_hbm, w_v)
    wv = w_v[...]

    row_bufs = (rows0, rows1, rows2, rows3)
    gsems = (gsem0, gsem1, gsem2, gsem3)
    ssems = (ssem0, ssem1, ssem2, ssem3)

    def fire_gather(g, b):
        return pltpu.async_copy(
            table_hbm.at[idx_all.at[pl.ds(g * CHUNK, CHUNK)]],
            row_bufs[b], gsems[b])

    for g in range(LEAD):
        fire_gather(g, g)

    @pl.loop(0, N_CHUNKS, step=NBUF)
    def _outer(c0):
        for b in range(NBUF):
            g = c0 + b
            fb = (b + LEAD) % NBUF

            @pl.when(g + LEAD < N_CHUNKS)
            def _fire_next():
                @pl.when(g + LEAD >= NBUF)
                def _drain_store():
                    pltpu.make_async_copy(
                        row_bufs[fb], out_hbm.at[pl.ds(base, CHUNK)],
                        ssems[fb]).wait()
                fire_gather(g + LEAD, fb)

            pltpu.make_async_copy(
                table_hbm.at[idx_all.at[pl.ds(0, CHUNK)]],
                row_bufs[b], gsems[b]).wait()

            rows = row_bufs[b]

            @plsc.parallel_loop(0, CHUNK * VECS_PER_ROW, unroll=8)
            def _scale(i):
                r = i >> 6
                off = (i & (VECS_PER_ROW - 1)) * LANES
                rows[r, pl.ds(off, LANES)] = rows[r, pl.ds(off, LANES)] * wv

            pltpu.async_copy(
                rows, out_hbm.at[pl.ds(base + g * CHUNK, CHUNK)], ssems[b])

    for b in range(NBUF):
        pltpu.make_async_copy(
            row_bufs[b], out_hbm.at[pl.ds(base, CHUNK)], ssems[b]).wait()


def kernel(pos_ids, weight, emb):
    w16 = jnp.broadcast_to(weight.astype(jnp.float32), (LANES,))
    out = _gather_scale(emb, pos_ids, w16)
    return out.reshape(pos_ids.shape + (D_MODEL,))

# --- scband reference (transcript-rebuilt; emitter-appended) ---
"""Pipeline reference for scband-scaled-sinusoidal-embedding-63299228008917 (READ-ONLY COPY).

The authoritative reference and input builder live on the scoring server;
editing this copy changes nothing except your own understanding.
"""

import jax, jax.numpy as jnp
import numpy as np

D_MODEL = 1024
THETA = 10000
MAX_SEQLEN = 8192
BATCH = 4
SEQ_LEN = 4096


def _build_emb():
    half_dim = D_MODEL // 2
    freq_seq = jnp.arange(half_dim, dtype=jnp.float32) / half_dim
    inv_freq = jnp.asarray(THETA, dtype=jnp.float32) ** (-freq_seq)
    pos = jnp.arange(MAX_SEQLEN, dtype=jnp.float32)
    emb = jnp.einsum('i,j->ij', pos, inv_freq)
    emb = jnp.concatenate((jnp.sin(emb), jnp.cos(emb)), axis=-1)
    return emb


def setup_inputs(seed: int = 0) -> dict:
    key = jax.random.key(seed)
    k_pos = jax.random.fold_in(key, 0)
    pos_ids = jax.random.randint(k_pos, (BATCH, SEQ_LEN), 0, MAX_SEQLEN, dtype=jnp.int64 if jax.config.jax_enable_x64 else jnp.int32)
    weight = jnp.ones((1,), dtype=jnp.float32) * (D_MODEL ** (-0.5))
    emb = _build_emb()
    return {"pos_ids": pos_ids, "weight": weight, "emb": emb}


def reference(pos_ids, weight, emb):
    # emb[pos_ids] is a row-gather from the precomputed sinusoidal table,
    # scaled by the learned scalar weight.
    gathered = jnp.take(emb, pos_ids, axis=0)
    return weight * gathered

if __name__ == "__main__":
    import jax
    _d = setup_inputs()
    print(jax.jit(kernel)(*tuple(_d.values())))

</pallas_src>

<mosaic_0001>
#map = affine_map<(d0, d1) -> (0, 0)>
#map1 = affine_map<(d0, d1) -> (0)>
module attributes {stable_mosaic.version = 14 : i64} {
  func.func @_gather_scale(%arg0: i32, %arg1: i32, %arg2: memref<8192x1024xf32, #tpu.memory_space<hbm>>, %arg3: memref<4x4096xi32, #tpu.memory_space<hbm>>, %arg4: memref<16xf32, #tpu.memory_space<hbm>>, %arg5: memref<16384x1024xf32, #tpu.memory_space<hbm>>, %arg6: memref<512xi32, #tpu.memory_space<vmem>>, %arg7: memref<16x1024xf32, #tpu.memory_space<vmem>>, %arg8: memref<16x1024xf32, #tpu.memory_space<vmem>>, %arg9: memref<16x1024xf32, #tpu.memory_space<vmem>>, %arg10: memref<16x1024xf32, #tpu.memory_space<vmem>>, %arg11: memref<16xf32, #tpu.memory_space<vmem>>, %arg12: memref<!tpu.dma_semaphore, #tpu.memory_space<semaphore_mem>>, %arg13: memref<!tpu.dma_semaphore, #tpu.memory_space<semaphore_mem>>, %arg14: memref<!tpu.dma_semaphore, #tpu.memory_space<semaphore_mem>>, %arg15: memref<!tpu.dma_semaphore, #tpu.memory_space<semaphore_mem>>, %arg16: memref<!tpu.dma_semaphore, #tpu.memory_space<semaphore_mem>>, %arg17: memref<!tpu.dma_semaphore, #tpu.memory_space<semaphore_mem>>, %arg18: memref<!tpu.dma_semaphore, #tpu.memory_space<semaphore_mem>>, %arg19: memref<!tpu.dma_semaphore, #tpu.memory_space<semaphore_mem>>) attributes {dimension_semantics = [#tpu.dimension_semantics<core_parallel>, #tpu.dimension_semantics<subcore_parallel>], iteration_bounds = array<i64: 2, 16>, scalar_prefetch = 0 : i64, scratch_operands = 14 : i64, tpu.core_type = #tpu.core_type<sc_vector_subcore>, window_params = [{transform_indices = #map}, {transform_indices = #map}, {transform_indices = #map1}, {transform_indices = #map}]} {
    %mul3A = arith.constant 2 : i32
    %mul3A_0 = arith.muli %arg1, %mul3A : i32
    %add3A = arith.addi %mul3A_0, %arg0 : i32
    %mul3A_1 = arith.constant 512 : i32
    %mul3A_2 = arith.muli %add3A, %mul3A_1 : i32
    %jit3A = arith.constant 8 : i32
    %div3A = arith.divsi %add3A, %jit3A : i32
    %sign3A = arith.constant 0 : i32
    %sign3A_3 = arith.cmpi sgt, %add3A, %sign3A : i32
    %sign3A_4 = arith.extui %sign3A_3 : i1 to i32
    %sign3A_5 = arith.constant 0 : i32
    %sign3A_6 = arith.cmpi slt, %add3A, %sign3A_5 : i32
    %sign3A_7 = arith.extui %sign3A_6 : i1 to i32
    %sign3A_8 = arith.subi %sign3A_4, %sign3A_7 : i32
    %sign3A_9 = arith.constant 0 : i32
    %sign3A_10 = arith.cmpi sgt, %jit3A, %sign3A_9 : i32
    %sign3A_11 = arith.extui %sign3A_10 : i1 to i32
    %sign3A_12 = arith.constant 0 : i32
    %sign3A_13 = arith.cmpi slt, %jit3A, %sign3A_12 : i32
    %sign3A_14 = arith.extui %sign3A_13 : i1 to i32
    %sign3A_15 = arith.subi %sign3A_11, %sign3A_14 : i32
    %ne3A = arith.cmpi ne, %sign3A_8, %sign3A_15 : i32
    %rem3A = arith.remsi %add3A, %jit3A : i32
    %ne3A_16 = arith.constant 0 : i32
    %ne3A_17 = arith.cmpi ne, %rem3A, %ne3A_16 : i32
    %and3A = arith.andi %ne3A, %ne3A_17 : i1
    %sub3A = arith.constant 1 : i32
    %sub3A_18 = arith.subi %div3A, %sub3A : i32
    %select_n3A = arith.select %and3A, %sub3A_18, %div3A : i32
    %jit3A_19 = arith.constant 8 : i32
    %eq3A = arith.constant 0 : i32
    %eq3A_20 = arith.cmpi eq, %jit3A_19, %eq3A : i32
    %jit3A_21 = arith.constant 1 : i32
    %select_n3A_22 = arith.select %eq3A_20, %jit3A_21, %jit3A_19 : i32
    %rem3A_23 = arith.remsi %add3A, %select_n3A_22 : i32
    %ne3A_24 = arith.constant 0 : i32
    %ne3A_25 = arith.cmpi ne, %rem3A_23, %ne3A_24 : i32
    %lt3A = arith.constant 0 : i32
    %lt3A_26 = arith.cmpi slt, %rem3A_23, %lt3A : i32
    %lt3A_27 = arith.constant 0 : i32
    %lt3A_28 = arith.cmpi slt, %select_n3A_22, %lt3A_27 : i32
    %ne3A_29 = arith.xori %lt3A_26, %lt3A_28 : i1
    %and3A_30 = arith.andi %ne3A_29, %ne3A_25 : i1
    %add3A_31 = arith.addi %rem3A_23, %select_n3A_22 : i32
    %select_n3A_32 = arith.select %and3A_30, %add3A_31, %rem3A_23 : i32
    %mul3A_33 = arith.constant 512 : i32
    %mul3A_34 = arith.muli %select_n3A_32, %mul3A_33 : i32
    "tpu.region"() ({
      %run_scoped3A = tpu.sem_alloc : memref<!tpu.dma_semaphore, #tpu.memory_space<semaphore_mem>>
      %dma_start3A_65 = tpu.memref_slice %arg3[%select_n3A, %mul3A_34] : memref<4x4096xi32, #tpu.memory_space<hbm>> -> memref<1x512xi32, #tpu.memory_space<hbm>>
      %dma_start3A_66 = tpu.memref_squeeze %dma_start3A_65 : memref<1x512xi32, #tpu.memory_space<hbm>> -> memref<512xi32, #tpu.memory_space<hbm>>
      %dma_start3A_67 = tpu.memref_slice %arg3[%select_n3A, %mul3A_34] : memref<4x4096xi32, #tpu.memory_space<hbm>> -> memref<1x512xi32, #tpu.memory_space<hbm>>
      %dma_start3A_68 = tpu.memref_squeeze %dma_start3A_67 : memref<1x512xi32, #tpu.memory_space<hbm>> -> memref<512xi32, #tpu.memory_space<hbm>>
      tpu.enqueue_dma source(%dma_start3A_68 : memref<512xi32, #tpu.memory_space<hbm>>) target(%arg6 : memref<512xi32, #tpu.memory_space<vmem>>) target_semaphore(%run_scoped3A : memref<!tpu.dma_semaphore, #tpu.memory_space<semaphore_mem>>)
      %dma_wait3A_69 = tpu.memref_slice %arg3[%select_n3A, %mul3A_34] : memref<4x4096xi32, #tpu.memory_space<hbm>> -> memref<1x512xi32, #tpu.memory_space<hbm>>
      %dma_wait3A_70 = tpu.memref_squeeze %dma_wait3A_69 : memref<1x512xi32, #tpu.memory_space<hbm>> -> memref<512xi32, #tpu.memory_space<hbm>>
      %dma_wait3A_71 = tpu.memref_slice %arg3[%select_n3A, %mul3A_34] : memref<4x4096xi32, #tpu.memory_space<hbm>> -> memref<1x512xi32, #tpu.memory_space<hbm>>
      %dma_wait3A_72 = tpu.memref_squeeze %dma_wait3A_71 : memref<1x512xi32, #tpu.memory_space<hbm>> -> memref<512xi32, #tpu.memory_space<hbm>>
      tpu.wait_dma2 semaphore(%run_scoped3A : memref<!tpu.dma_semaphore, #tpu.memory_space<semaphore_mem>>) src(%dma_wait3A_72 : memref<512xi32, #tpu.memory_space<hbm>>) dst(%arg6 : memref<512xi32, #tpu.memory_space<vmem>>)
      tpu.yield
    }) : () -> ()
    "tpu.region"() ({
      %run_scoped3A = tpu.sem_alloc : memref<!tpu.dma_semaphore, #tpu.memory_space<semaphore_mem>>
      tpu.enqueue_dma source(%arg4 : memref<16xf32, #tpu.memory_space<hbm>>) target(%arg11 : memref<16xf32, #tpu.memory_space<vmem>>) target_semaphore(%run_scoped3A : memref<!tpu.dma_semaphore, #tpu.memory_space<semaphore_mem>>)
      tpu.wait_dma2 semaphore(%run_scoped3A : memref<!tpu.dma_semaphore, #tpu.memory_space<semaphore_mem>>) src(%arg4 : memref<16xf32, #tpu.memory_space<hbm>>) dst(%arg11 : memref<16xf32, #tpu.memory_space<vmem>>)
      tpu.yield
    }) : () -> ()
    %get3A = arith.constant 0 : index
    %get3A_35 = tpu.vector_load %arg11[%get3A] {strides = array<i32>} : memref<16xf32, #tpu.memory_space<vmem>>, vector<16xf32>,
    %get3A_36 = vector.shape_cast %get3A_35 : vector<16xf32> to vector<16xf32>
    %dma_start3A = arith.constant 0 : i32
    %dma_start3A_37 = tpu.memref_slice %arg6[%dma_start3A] : memref<512xi32, #tpu.memory_space<vmem>> -> memref<16xi32, #tpu.memory_space<vmem>>
    %dma_start3A_38 = arith.constant 0 : i32
    %dma_start3A_39 = arith.constant 0 : i32
    %dma_start3A_40 = tpu.memref_slice %arg2[%dma_start3A_38, %dma_start3A_39] : memref<8192x1024xf32, #tpu.memory_space<hbm>> -> memref<8192x1024xf32, #tpu.memory_space<hbm>>
    tpu.enqueue_indirect_dma source(%dma_start3A_40 : memref<8192x1024xf32, #tpu.memory_space<hbm>>) target(%arg7 : memref<16x1024xf32, #tpu.memory_space<vmem>>) offsets(%dma_start3A_37 : memref<16xi32, #tpu.memory_space<vmem>>) semaphore(%arg12 : memref<!tpu.dma_semaphore, #tpu.memory_space<semaphore_mem>>)
    %dma_start3A_41 = arith.constant 16 : i32
    %dma_start3A_42 = tpu.memref_slice %arg6[%dma_start3A_41] : memref<512xi32, #tpu.memory_space<vmem>> -> memref<16xi32, #tpu.memory_space<vmem>>
    %dma_start3A_43 = arith.constant 0 : i32
    %dma_start3A_44 = arith.constant 0 : i32
    %dma_start3A_45 = tpu.memref_slice %arg2[%dma_start3A_43, %dma_start3A_44] : memref<8192x1024xf32, #tpu.memory_space<hbm>> -> memref<8192x1024xf32, #tpu.memory_space<hbm>>
    tpu.enqueue_indirect_dma source(%dma_start3A_45 : memref<8192x1024xf32, #tpu.memory_space<hbm>>) target(%arg8 : memref<16x1024xf32, #tpu.memory_space<vmem>>) offsets(%dma_start3A_42 : memref<16xi32, #tpu.memory_space<vmem>>) semaphore(%arg13 : memref<!tpu.dma_semaphore, #tpu.memory_space<semaphore_mem>>)
    %scan3A = arith.constant 0 : i32
    %scan3A_46 = arith.constant 8 : i32
    %scan3A_47 = arith.addi %scan3A, %scan3A_46 : i32
    %scan3A_48 = arith.constant 1 : i32
    scf.for %scan3A_65 = %scan3A to %scan3A_47 step %scan3A_48  : i32 {
      %mul3A_66 = arith.constant 4 : i32
      %mul3A_67 = arith.muli %scan3A_65, %mul3A_66 : i32
      %add3A_68 = arith.constant 0 : i32
      %add3A_69 = arith.addi %add3A_68, %mul3A_67 : i32
      %add3A_70 = arith.constant 0 : i32
      %add3A_71 = arith.addi %add3A_69, %add3A_70 : i32
      %add3A_72 = arith.constant 2 : i32
      %add3A_73 = arith.addi %add3A_71, %add3A_72 : i32
      %lt3A_74 = arith.constant 32 : i32
      %lt3A_75 = arith.cmpi slt, %add3A_73, %lt3A_74 : i32
      %convert_element_type3A = arith.extui %lt3A_75 : i1 to i32
      %cond3A = arith.constant 0 : i32
      %cond3A_76 = arith.cmpi ne, %convert_element_type3A, %cond3A : i32
      scf.if %cond3A_76 {
        %add3A_163 = arith.constant 2 : i32
        %add3A_164 = arith.addi %add3A_71, %add3A_163 : i32
        %ge3A = arith.constant 4 : i32
        %ge3A_165 = arith.cmpi sge, %add3A_164, %ge3A : i32
        %convert_element_type3A_166 = arith.extui %ge3A_165 : i1 to i32
        %cond3A_167 = arith.constant 0 : i32
        %cond3A_168 = arith.cmpi ne, %convert_element_type3A_166, %cond3A_167 : i32
        scf.if %cond3A_168 {
          %dma_wait3A_177 = arith.constant 0 : i32
          %dma_wait3A_178 = tpu.memref_slice %arg5[%mul3A_2, %dma_wait3A_177] : memref<16384x1024xf32, #tpu.memory_space<hbm>> -> memref<16x1024xf32, #tpu.memory_space<hbm>>
          %dma_wait3A_179 = arith.constant 0 : i32
          %dma_wait3A_180 = tpu.memref_slice %arg5[%mul3A_2, %dma_wait3A_179] : memref<16384x1024xf32, #tpu.memory_space<hbm>> -> memref<16x1024xf32, #tpu.memory_space<hbm>>
          tpu.wait_dma2 semaphore(%arg18 : memref<!tpu.dma_semaphore, #tpu.memory_space<semaphore_mem>>) src(%arg9 : memref<16x1024xf32, #tpu.memory_space<vmem>>) dst(%dma_wait3A_180 : memref<16x1024xf32, #tpu.memory_space<hbm>>)
        } else {
        }
        %add3A_169 = arith.constant 2 : i32
        %add3A_170 = arith.addi %add3A_71, %add3A_169 : i32
        %mul3A_171 = arith.constant 16 : i32
        %mul3A_172 = arith.muli %add3A_170, %mul3A_171 : i32
        %dma_start3A_173 = tpu.memref_slice %arg6[%mul3A_172] : memref<512xi32, #tpu.memory_space<vmem>> -> memref<16xi32, #tpu.memory_space<vmem>>
        %dma_start3A_174 = arith.constant 0 : i32
        %dma_start3A_175 = arith.constant 0 : i32
        %dma_start3A_176 = tpu.memref_slice %arg2[%dma_start3A_174, %dma_start3A_175] : memref<8192x1024xf32, #tpu.memory_space<hbm>> -> memref<8192x1024xf32, #tpu.memory_space<hbm>>
        tpu.enqueue_indirect_dma source(%dma_start3A_176 : memref<8192x1024xf32, #tpu.memory_space<hbm>>) target(%arg9 : memref<16x1024xf32, #tpu.memory_space<vmem>>) offsets(%dma_start3A_173 : memref<16xi32, #tpu.memory_space<vmem>>) semaphore(%arg14 : memref<!tpu.dma_semaphore, #tpu.memory_space<semaphore_mem>>)
      } else {
      }
      %dma_wait3A_77 = arith.constant 0 : i32
      %dma_wait3A_78 = tpu.memref_slice %arg6[%dma_wait3A_77] : memref<512xi32, #tpu.memory_space<vmem>> -> memref<16xi32, #tpu.memory_space<vmem>>
      %dma_wait3A_79 = arith.constant 0 : i32
      %dma_wait3A_80 = arith.constant 0 : i32
      %dma_wait3A_81 = tpu.memref_slice %arg2[%dma_wait3A_79, %dma_wait3A_80] : memref<8192x1024xf32, #tpu.memory_space<hbm>> -> memref<8192x1024xf32, #tpu.memory_space<hbm>>
      tpu.wait_indirect_dma semaphore(%arg12 : memref<!tpu.dma_semaphore, #tpu.memory_space<semaphore_mem>>) src(%dma_wait3A_81 : memref<8192x1024xf32, #tpu.memory_space<hbm>>) dst(%arg7 : memref<16x1024xf32, #tpu.memory_space<vmem>>)
      %parallel_loop3A = arith.constant 0 : i32
      %parallel_loop3A_82 = arith.constant 1024 : i32
      %parallel_loop3A_83 = arith.constant 1 : i32
      scf.for %parallel_loop3A_163 = %parallel_loop3A to %parallel_loop3A_82 step %parallel_loop3A_83  : i32 {
        %parallel_loop3A_164 = arith.constant 6 : i32
        %parallel_loop3A_165 = arith.shrsi %parallel_loop3A_163, %parallel_loop3A_164 : i32
        %parallel_loop3A_166 = arith.constant 63 : i32
        %parallel_loop3A_167 = arith.andi %parallel_loop3A_163, %parallel_loop3A_166 : i32
        %parallel_loop3A_168 = arith.constant 16 : i32
        %parallel_loop3A_169 = arith.muli %parallel_loop3A_167, %parallel_loop3A_168 : i32
        %parallel_loop3A_170 = arith.index_cast %parallel_loop3A_165 : i32 to index
        %parallel_loop3A_171 = arith.index_cast %parallel_loop3A_169 : i32 to index
        %parallel_loop3A_172 = tpu.vector_load %arg7[%parallel_loop3A_170, %parallel_loop3A_171] {strides = array<i32>} : memref<16x1024xf32, #tpu.memory_space<vmem>>, vector<1x16xf32>,
        %parallel_loop3A_173 = vector.shape_cast %parallel_loop3A_172 : vector<1x16xf32> to vector<16xf32>
        %parallel_loop3A_174 = arith.mulf %parallel_loop3A_173, %get3A_36 : vector<16xf32>
        %parallel_loop3A_175 = arith.index_cast %parallel_loop3A_165 : i32 to index
        %parallel_loop3A_176 = arith.index_cast %parallel_loop3A_169 : i32 to index
        %parallel_loop3A_177 = tpu.vector_load %arg7[%parallel_loop3A_175, %parallel_loop3A_176] {strides = array<i32>} : memref<16x1024xf32, #tpu.memory_space<vmem>>, vector<1x16xf32>,
        %parallel_loop3A_178 = vector.shape_cast %parallel_loop3A_177 : vector<1x16xf32> to vector<16xf32>
        %parallel_loop3A_179 = vector.shape_cast %parallel_loop3A_174 : vector<16xf32> to vector<1x16xf32>
        tpu.vector_store %arg7[%parallel_loop3A_175, %parallel_loop3A_176], %parallel_loop3A_179 {strides = array<i32>} : memref<16x1024xf32, #tpu.memory_space<vmem>>, vector<1x16xf32>,
      } {sc.loop_unroll_factor = 8 : i64, sc.parallel_access}
      %mul3A_84 = arith.constant 16 : i32
      %mul3A_85 = arith.muli %add3A_71, %mul3A_84 : i32
      %add3A_86 = arith.addi %mul3A_2, %mul3A_85 : i32
      %dma_start3A_87 = arith.constant 0 : i32
      %dma_start3A_88 = tpu.memref_slice %arg5[%add3A_86, %dma_start3A_87] : memref<16384x1024xf32, #tpu.memory_space<hbm>> -> memref<16x1024xf32, #tpu.memory_space<hbm>>
      %dma_start3A_89 = arith.constant 0 : i32
      %dma_start3A_90 = tpu.memref_slice %arg5[%add3A_86, %dma_start3A_89] : memref<16384x1024xf32, #tpu.memory_space<hbm>> -> memref<16x1024xf32, #tpu.memory_space<hbm>>
      tpu.enqueue_dma source(%arg7 : memref<16x1024xf32, #tpu.memory_space<vmem>>) target(%dma_start3A_90 : memref<16x1024xf32, #tpu.memory_space<hbm>>) target_semaphore(%arg16 : memref<!tpu.dma_semaphore, #tpu.memory_space<semaphore_mem>>)
      %add3A_91 = arith.constant 1 : i32
      %add3A_92 = arith.addi %add3A_69, %add3A_91 : i32
      %add3A_93 = arith.constant 2 : i32
      %add3A_94 = arith.addi %add3A_92, %add3A_93 : i32
      %lt3A_95 = arith.constant 32 : i32
      %lt3A_96 = arith.cmpi slt, %add3A_94, %lt3A_95 : i32
      %convert_element_type3A_97 = arith.extui %lt3A_96 : i1 to i32
      %cond3A_98 = arith.constant 0 : i32
      %cond3A_99 = arith.cmpi ne, %convert_element_type3A_97, %cond3A_98 : i32
      scf.if %cond3A_99 {
        %add3A_163 = arith.constant 2 : i32
        %add3A_164 = arith.addi %add3A_92, %add3A_163 : i32
        %ge3A = arith.constant 4 : i32
        %ge3A_165 = arith.cmpi sge, %add3A_164, %ge3A : i32
        %convert_element_type3A_166 = arith.extui %ge3A_165 : i1 to i32
        %cond3A_167 = arith.constant 0 : i32
        %cond3A_168 = arith.cmpi ne, %convert_element_type3A_166, %cond3A_167 : i32
        scf.if %cond3A_168 {
          %dma_wait3A_177 = arith.constant 0 : i32
          %dma_wait3A_178 = tpu.memref_slice %arg5[%mul3A_2, %dma_wait3A_177] : memref<16384x1024xf32, #tpu.memory_space<hbm>> -> memref<16x1024xf32, #tpu.memory_space<hbm>>
          %dma_wait3A_179 = arith.constant 0 : i32
          %dma_wait3A_180 = tpu.memref_slice %arg5[%mul3A_2, %dma_wait3A_179] : memref<16384x1024xf32, #tpu.memory_space<hbm>> -> memref<16x1024xf32, #tpu.memory_space<hbm>>
          tpu.wait_dma2 semaphore(%arg19 : memref<!tpu.dma_semaphore, #tpu.memory_space<semaphore_mem>>) src(%arg10 : memref<16x1024xf32, #tpu.memory_space<vmem>>) dst(%dma_wait3A_180 : memref<16x1024xf32, #tpu.memory_space<hbm>>)
        } else {
        }
        %add3A_169 = arith.constant 2 : i32
        %add3A_170 = arith.addi %add3A_92, %add3A_169 : i32
        %mul3A_171 = arith.constant 16 : i32
        %mul3A_172 = arith.muli %add3A_170, %mul3A_171 : i32
        %dma_start3A_173 = tpu.memref_slice %arg6[%mul3A_172] : memref<512xi32, #tpu.memory_space<vmem>> -> memref<16xi32, #tpu.memory_space<vmem>>
        %dma_start3A_174 = arith.constant 0 : i32
        %dma_start3A_175 = arith.constant 0 : i32
        %dma_start3A_176 = tpu.memref_slice %arg2[%dma_start3A_174, %dma_start3A_175] : memref<8192x1024xf32, #tpu.memory_space<hbm>> -> memref<8192x1024xf32, #tpu.memory_space<hbm>>
        tpu.enqueue_indirect_dma source(%dma_start3A_176 : memref<8192x1024xf32, #tpu.memory_space<hbm>>) target(%arg10 : memref<16x1024xf32, #tpu.memory_space<vmem>>) offsets(%dma_start3A_173 : memref<16xi32, #tpu.memory_space<vmem>>) semaphore(%arg15 : memref<!tpu.dma_semaphore, #tpu.memory_space<semaphore_mem>>)
      } else {
      }
      %dma_wait3A_100 = arith.constant 0 : i32
      %dma_wait3A_101 = tpu.memref_slice %arg6[%dma_wait3A_100] : memref<512xi32, #tpu.memory_space<vmem>> -> memref<16xi32, #tpu.memory_space<vmem>>
      %dma_wait3A_102 = arith.constant 0 : i32
      %dma_wait3A_103 = arith.constant 0 : i32
      %dma_wait3A_104 = tpu.memref_slice %arg2[%dma_wait3A_102, %dma_wait3A_103] : memref<8192x1024xf32, #tpu.memory_space<hbm>> -> memref<8192x1024xf32, #tpu.memory_space<hbm>>
      tpu.wait_indirect_dma semaphore(%arg13 : memref<!tpu.dma_semaphore, #tpu.memory_space<semaphore_mem>>) src(%dma_wait3A_104 : memref<8192x1024xf32, #tpu.memory_space<hbm>>) dst(%arg8 : memref<16x1024xf32, #tpu.memory_space<vmem>>)
      %parallel_loop3A_105 = arith.constant 0 : i32
      %parallel_loop3A_106 = arith.constant 1024 : i32
      %parallel_loop3A_107 = arith.constant 1 : i32
      scf.for %parallel_loop3A_163 = %parallel_loop3A_105 to %parallel_loop3A_106 step %parallel_loop3A_107  : i32 {
        %parallel_loop3A_164 = arith.constant 6 : i32
        %parallel_loop3A_165 = arith.shrsi %parallel_loop3A_163, %parallel_loop3A_164 : i32
        %parallel_loop3A_166 = arith.constant 63 : i32
        %parallel_loop3A_167 = arith.andi %parallel_loop3A_163, %parallel_loop3A_166 : i32
        %parallel_loop3A_168 = arith.constant 16 : i32
        %parallel_loop3A_169 = arith.muli %parallel_loop3A_167, %parallel_loop3A_168 : i32
        %parallel_loop3A_170 = arith.index_cast %parallel_loop3A_165 : i32 to index
        %parallel_loop3A_171 = arith.index_cast %parallel_loop3A_169 : i32 to index
        %parallel_loop3A_172 = tpu.vector_load %arg8[%parallel_loop3A_170, %parallel_loop3A_171] {strides = array<i32>} : memref<16x1024xf32, #tpu.memory_space<vmem>>, vector<1x16xf32>,
        %parallel_loop3A_173 = vector.shape_cast %parallel_loop3A_172 : vector<1x16xf32> to vector<16xf32>
        %parallel_loop3A_174 = arith.mulf %parallel_loop3A_173, %get3A_36 : vector<16xf32>
        %parallel_loop3A_175 = arith.index_cast %parallel_loop3A_165 : i32 to index
        %parallel_loop3A_176 = arith.index_cast %parallel_loop3A_169 : i32 to index
        %parallel_loop3A_177 = tpu.vector_load %arg8[%parallel_loop3A_175, %parallel_loop3A_176] {strides = array<i32>} : memref<16x1024xf32, #tpu.memory_space<vmem>>, vector<1x16xf32>,
        %parallel_loop3A_178 = vector.shape_cast %parallel_loop3A_177 : vector<1x16xf32> to vector<16xf32>
        %parallel_loop3A_179 = vector.shape_cast %parallel_loop3A_174 : vector<16xf32> to vector<1x16xf32>
        tpu.vector_store %arg8[%parallel_loop3A_175, %parallel_loop3A_176], %parallel_loop3A_179 {strides = array<i32>} : memref<16x1024xf32, #tpu.memory_space<vmem>>, vector<1x16xf32>,
      } {sc.loop_unroll_factor = 8 : i64, sc.parallel_access}
      %mul3A_108 = arith.constant 16 : i32
      %mul3A_109 = arith.muli %add3A_92, %mul3A_108 : i32
      %add3A_110 = arith.addi %mul3A_2, %mul3A_109 : i32
      %dma_start3A_111 = arith.constant 0 : i32
      %dma_start3A_112 = tpu.memref_slice %arg5[%add3A_110, %dma_start3A_111] : memref<16384x1024xf32, #tpu.memory_space<hbm>> -> memref<16x1024xf32, #tpu.memory_space<hbm>>
      %dma_start3A_113 = arith.constant 0 : i32
      %dma_start3A_114 = tpu.memref_slice %arg5[%add3A_110, %dma_start3A_113] : memref<16384x1024xf32, #tpu.memory_space<hbm>> -> memref<16x1024xf32, #tpu.memory_space<hbm>>
      tpu.enqueue_dma source(%arg8 : memref<16x1024xf32, #tpu.memory_space<vmem>>) target(%dma_start3A_114 : memref<16x1024xf32, #tpu.memory_space<hbm>>) target_semaphore(%arg17 : memref<!tpu.dma_semaphore, #tpu.memory_space<semaphore_mem>>)
      %add3A_115 = arith.constant 2 : i32
      %add3A_116 = arith.addi %add3A_69, %add3A_115 : i32
      %add3A_117 = arith.constant 2 : i32
      %add3A_118 = arith.addi %add3A_116, %add3A_117 : i32
      %lt3A_119 = arith.constant 32 : i32
      %lt3A_120 = arith.cmpi slt, %add3A_118, %lt3A_119 : i32
      %convert_element_type3A_121 = arith.extui %lt3A_120 : i1 to i32
      %cond3A_122 = arith.constant 0 : i32
      %cond3A_123 = arith.cmpi ne, %convert_element_type3A_121, %cond3A_122 : i32
      scf.if %cond3A_123 {
        %add3A_163 = arith.constant 2 : i32
        %add3A_164 = arith.addi %add3A_116, %add3A_163 : i32
        %ge3A = arith.constant 4 : i32
        %ge3A_165 = arith.cmpi sge, %add3A_164, %ge3A : i32
        %convert_element_type3A_166 = arith.extui %ge3A_165 : i1 to i32
        %cond3A_167 = arith.constant 0 : i32
        %cond3A_168 = arith.cmpi ne, %convert_element_type3A_166, %cond3A_167 : i32
        scf.if %cond3A_168 {
          %dma_wait3A_177 = arith.constant 0 : i32
          %dma_wait3A_178 = tpu.memref_slice %arg5[%mul3A_2, %dma_wait3A_177] : memref<16384x1024xf32, #tpu.memory_space<hbm>> -> memref<16x1024xf32, #tpu.memory_space<hbm>>
          %dma_wait3A_179 = arith.constant 0 : i32
          %dma_wait3A_180 = tpu.memref_slice %arg5[%mul3A_2, %dma_wait3A_179] : memref<16384x1024xf32, #tpu.memory_space<hbm>> -> memref<16x1024xf32, #tpu.memory_space<hbm>>
          tpu.wait_dma2 semaphore(%arg16 : memref<!tpu.dma_semaphore, #tpu.memory_space<semaphore_mem>>) src(%arg7 : memref<16x1024xf32, #tpu.memory_space<vmem>>) dst(%dma_wait3A_180 : memref<16x1024xf32, #tpu.memory_space<hbm>>)
        } else {
        }
        %add3A_169 = arith.constant 2 : i32
        %add3A_170 = arith.addi %add3A_116, %add3A_169 : i32
        %mul3A_171 = arith.constant 16 : i32
        %mul3A_172 = arith.muli %add3A_170, %mul3A_171 : i32
        %dma_start3A_173 = tpu.memref_slice %arg6[%mul3A_172] : memref<512xi32, #tpu.memory_space<vmem>> -> memref<16xi32, #tpu.memory_space<vmem>>
        %dma_start3A_174 = arith.constant 0 : i32
        %dma_start3A_175 = arith.constant 0 : i32
        %dma_start3A_176 = tpu.memref_slice %arg2[%dma_start3A_174, %dma_start3A_175] : memref<8192x1024xf32, #tpu.memory_space<hbm>> -> memref<8192x1024xf32, #tpu.memory_space<hbm>>
        tpu.enqueue_indirect_dma source(%dma_start3A_176 : memref<8192x1024xf32, #tpu.memory_space<hbm>>) target(%arg7 : memref<16x1024xf32, #tpu.memory_space<vmem>>) offsets(%dma_start3A_173 : memref<16xi32, #tpu.memory_space<vmem>>) semaphore(%arg12 : memref<!tpu.dma_semaphore, #tpu.memory_space<semaphore_mem>>)
      } else {
      }
      %dma_wait3A_124 = arith.constant 0 : i32
      %dma_wait3A_125 = tpu.memref_slice %arg6[%dma_wait3A_124] : memref<512xi32, #tpu.memory_space<vmem>> -> memref<16xi32, #tpu.memory_space<vmem>>
      %dma_wait3A_126 = arith.constant 0 : i32
      %dma_wait3A_127 = arith.constant 0 : i32
      %dma_wait3A_128 = tpu.memref_slice %arg2[%dma_wait3A_126, %dma_wait3A_127] : memref<8192x1024xf32, #tpu.memory_space<hbm>> -> memref<8192x1024xf32, #tpu.memory_space<hbm>>
      tpu.wait_indirect_dma semaphore(%arg14 : memref<!tpu.dma_semaphore, #tpu.memory_space<semaphore_mem>>) src(%dma_wait3A_128 : memref<8192x1024xf32, #tpu.memory_space<hbm>>) dst(%arg9 : memref<16x1024xf32, #tpu.memory_space<vmem>>)
      %parallel_loop3A_129 = arith.constant 0 : i32
      %parallel_loop3A_130 = arith.constant 1024 : i32
      %parallel_loop3A_131 = arith.constant 1 : i32
      scf.for %parallel_loop3A_163 = %parallel_loop3A_129 to %parallel_loop3A_130 step %parallel_loop3A_131  : i32 {
        %parallel_loop3A_164 = arith.constant 6 : i32
        %parallel_loop3A_165 = arith.shrsi %parallel_loop3A_163, %parallel_loop3A_164 : i32
        %parallel_loop3A_166 = arith.constant 63 : i32
        %parallel_loop3A_167 = arith.andi %parallel_loop3A_163, %parallel_loop3A_166 : i32
        %parallel_loop3A_168 = arith.constant 16 : i32
        %parallel_loop3A_169 = arith.muli %parallel_loop3A_167, %parallel_loop3A_168 : i32
        %parallel_loop3A_170 = arith.index_cast %parallel_loop3A_165 : i32 to index
        %parallel_loop3A_171 = arith.index_cast %parallel_loop3A_169 : i32 to index
        %parallel_loop3A_172 = tpu.vector_load %arg9[%parallel_loop3A_170, %parallel_loop3A_171] {strides = array<i32>} : memref<16x1024xf32, #tpu.memory_space<vmem>>, vector<1x16xf32>,
        %parallel_loop3A_173 = vector.shape_cast %parallel_loop3A_172 : vector<1x16xf32> to vector<16xf32>
        %parallel_loop3A_174 = arith.mulf %parallel_loop3A_173, %get3A_36 : vector<16xf32>
        %parallel_loop3A_175 = arith.index_cast %parallel_loop3A_165 : i32 to index
        %parallel_loop3A_176 = arith.index_cast %parallel_loop3A_169 : i32 to index
        %parallel_loop3A_177 = tpu.vector_load %arg9[%parallel_loop3A_175, %parallel_loop3A_176] {strides = array<i32>} : memref<16x1024xf32, #tpu.memory_space<vmem>>, vector<1x16xf32>,
        %parallel_loop3A_178 = vector.shape_cast %parallel_loop3A_177 : vector<1x16xf32> to vector<16xf32>
        %parallel_loop3A_179 = vector.shape_cast %parallel_loop3A_174 : vector<16xf32> to vector<1x16xf32>
        tpu.vector_store %arg9[%parallel_loop3A_175, %parallel_loop3A_176], %parallel_loop3A_179 {strides = array<i32>} : memref<16x1024xf32, #tpu.memory_space<vmem>>, vector<1x16xf32>,
      } {sc.loop_unroll_factor = 8 : i64, sc.parallel_access}
      %mul3A_132 = arith.constant 16 : i32
      %mul3A_133 = arith.muli %add3A_116, %mul3A_132 : i32
      %add3A_134 = arith.addi %mul3A_2, %mul3A_133 : i32
      %dma_start3A_135 = arith.constant 0 : i32
      %dma_start3A_136 = tpu.memref_slice %arg5[%add3A_134, %dma_start3A_135] : memref<16384x1024xf32, #tpu.memory_space<hbm>> -> memref<16x1024xf32, #tpu.memory_space<hbm>>
      %dma_start3A_137 = arith.constant 0 : i32
      %dma_start3A_138 = tpu.memref_slice %arg5[%add3A_134, %dma_start3A_137] : memref<16384x1024xf32, #tpu.memory_space<hbm>> -> memref<16x1024xf32, #tpu.memory_space<hbm>>
      tpu.enqueue_dma source(%arg9 : memref<16x1024xf32, #tpu.memory_space<vmem>>) target(%dma_start3A_138 : memref<16x1024xf32, #tpu.memory_space<hbm>>) target_semaphore(%arg18 : memref<!tpu.dma_semaphore, #tpu.memory_space<semaphore_mem>>)
      %add3A_139 = arith.constant 3 : i32
      %add3A_140 = arith.addi %add3A_69, %add3A_139 : i32
      %add3A_141 = arith.constant 2 : i32
      %add3A_142 = arith.addi %add3A_140, %add3A_141 : i32
      %lt3A_143 = arith.constant 32 : i32
      %lt3A_144 = arith.cmpi slt, %add3A_142, %lt3A_143 : i32
      %convert_element_type3A_145 = arith.extui %lt3A_144 : i1 to i32
      %cond3A_146 = arith.constant 0 : i32
      %cond3A_147 = arith.cmpi ne, %convert_element_type3A_145, %cond3A_146 : i32
      scf.if %cond3A_147 {
        %add3A_163 = arith.constant 2 : i32
        %add3A_164 = arith.addi %add3A_140, %add3A_163 : i32
        %ge3A = arith.constant 4 : i32
        %ge3A_165 = arith.cmpi sge, %add3A_164, %ge3A : i32
        %convert_element_type3A_166 = arith.extui %ge3A_165 : i1 to i32
        %cond3A_167 = arith.constant 0 : i32
        %cond3A_168 = arith.cmpi ne, %convert_element_type3A_166, %cond3A_167 : i32
        scf.if %cond3A_168 {
          %dma_wait3A_177 = arith.constant 0 : i32
          %dma_wait3A_178 = tpu.memref_slice %arg5[%mul3A_2, %dma_wait3A_177] : memref<16384x1024xf32, #tpu.memory_space<hbm>> -> memref<16x1024xf32, #tpu.memory_space<hbm>>
          %dma_wait3A_179 = arith.constant 0 : i32
          %dma_wait3A_180 = tpu.memref_slice %arg5[%mul3A_2, %dma_wait3A_179] : memref<16384x1024xf32, #tpu.memory_space<hbm>> -> memref<16x1024xf32, #tpu.memory_space<hbm>>
          tpu.wait_dma2 semaphore(%arg17 : memref<!tpu.dma_semaphore, #tpu.memory_space<semaphore_mem>>) src(%arg8 : memref<16x1024xf32, #tpu.memory_space<vmem>>) dst(%dma_wait3A_180 : memref<16x1024xf32, #tpu.memory_space<hbm>>)
        } else {
        }
        %add3A_169 = arith.constant 2 : i32
        %add3A_170 = arith.addi %add3A_140, %add3A_169 : i32
        %mul3A_171 = arith.constant 16 : i32
        %mul3A_172 = arith.muli %add3A_170, %mul3A_171 : i32
        %dma_start3A_173 = tpu.memref_slice %arg6[%mul3A_172] : memref<512xi32, #tpu.memory_space<vmem>> -> memref<16xi32, #tpu.memory_space<vmem>>
        %dma_start3A_174 = arith.constant 0 : i32
        %dma_start3A_175 = arith.constant 0 : i32
        %dma_start3A_176 = tpu.memref_slice %arg2[%dma_start3A_174, %dma_start3A_175] : memref<8192x1024xf32, #tpu.memory_space<hbm>> -> memref<8192x1024xf32, #tpu.memory_space<hbm>>
        tpu.enqueue_indirect_dma source(%dma_start3A_176 : memref<8192x1024xf32, #tpu.memory_space<hbm>>) target(%arg8 : memref<16x1024xf32, #tpu.memory_space<vmem>>) offsets(%dma_start3A_173 : memref<16xi32, #tpu.memory_space<vmem>>) semaphore(%arg13 : memref<!tpu.dma_semaphore, #tpu.memory_space<semaphore_mem>>)
      } else {
      }
      %dma_wait3A_148 = arith.constant 0 : i32
      %dma_wait3A_149 = tpu.memref_slice %arg6[%dma_wait3A_148] : memref<512xi32, #tpu.memory_space<vmem>> -> memref<16xi32, #tpu.memory_space<vmem>>
      %dma_wait3A_150 = arith.constant 0 : i32
      %dma_wait3A_151 = arith.constant 0 : i32
      %dma_wait3A_152 = tpu.memref_slice %arg2[%dma_wait3A_150, %dma_wait3A_151] : memref<8192x1024xf32, #tpu.memory_space<hbm>> -> memref<8192x1024xf32, #tpu.memory_space<hbm>>
      tpu.wait_indirect_dma semaphore(%arg15 : memref<!tpu.dma_semaphore, #tpu.memory_space<semaphore_mem>>) src(%dma_wait3A_152 : memref<8192x1024xf32, #tpu.memory_space<hbm>>) dst(%arg10 : memref<16x1024xf32, #tpu.memory_space<vmem>>)
      %parallel_loop3A_153 = arith.constant 0 : i32
      %parallel_loop3A_154 = arith.constant 1024 : i32
      %parallel_loop3A_155 = arith.constant 1 : i32
      scf.for %parallel_loop3A_163 = %parallel_loop3A_153 to %parallel_loop3A_154 step %parallel_loop3A_155  : i32 {
        %parallel_loop3A_164 = arith.constant 6 : i32
        %parallel_loop3A_165 = arith.shrsi %parallel_loop3A_163, %parallel_loop3A_164 : i32
        %parallel_loop3A_166 = arith.constant 63 : i32
        %parallel_loop3A_167 = arith.andi %parallel_loop3A_163, %parallel_loop3A_166 : i32
        %parallel_loop3A_168 = arith.constant 16 : i32
        %parallel_loop3A_169 = arith.muli %parallel_loop3A_167, %parallel_loop3A_168 : i32
        %parallel_loop3A_170 = arith.index_cast %parallel_loop3A_165 : i32 to index
        %parallel_loop3A_171 = arith.index_cast %parallel_loop3A_169 : i32 to index
        %parallel_loop3A_172 = tpu.vector_load %arg10[%parallel_loop3A_170, %parallel_loop3A_171] {strides = array<i32>} : memref<16x1024xf32, #tpu.memory_space<vmem>>, vector<1x16xf32>,
        %parallel_loop3A_173 = vector.shape_cast %parallel_loop3A_172 : vector<1x16xf32> to vector<16xf32>
        %parallel_loop3A_174 = arith.mulf %parallel_loop3A_173, %get3A_36 : vector<16xf32>
        %parallel_loop3A_175 = arith.index_cast %parallel_loop3A_165 : i32 to index
        %parallel_loop3A_176 = arith.index_cast %parallel_loop3A_169 : i32 to index
        %parallel_loop3A_177 = tpu.vector_load %arg10[%parallel_loop3A_175, %parallel_loop3A_176] {strides = array<i32>} : memref<16x1024xf32, #tpu.memory_space<vmem>>, vector<1x16xf32>,
        %parallel_loop3A_178 = vector.shape_cast %parallel_loop3A_177 : vector<1x16xf32> to vector<16xf32>
        %parallel_loop3A_179 = vector.shape_cast %parallel_loop3A_174 : vector<16xf32> to vector<1x16xf32>
        tpu.vector_store %arg10[%parallel_loop3A_175, %parallel_loop3A_176], %parallel_loop3A_179 {strides = array<i32>} : memref<16x1024xf32, #tpu.memory_space<vmem>>, vector<1x16xf32>,
      } {sc.loop_unroll_factor = 8 : i64, sc.parallel_access}
      %mul3A_156 = arith.constant 16 : i32
      %mul3A_157 = arith.muli %add3A_140, %mul3A_156 : i32
      %add3A_158 = arith.addi %mul3A_2, %mul3A_157 : i32
      %dma_start3A_159 = arith.constant 0 : i32
      %dma_start3A_160 = tpu.memref_slice %arg5[%add3A_158, %dma_start3A_159] : memref<16384x1024xf32, #tpu.memory_space<hbm>> -> memref<16x1024xf32, #tpu.memory_space<hbm>>
      %dma_start3A_161 = arith.constant 0 : i32
      %dma_start3A_162 = tpu.memref_slice %arg5[%add3A_158, %dma_start3A_161] : memref<16384x1024xf32, #tpu.memory_space<hbm>> -> memref<16x1024xf32, #tpu.memory_space<hbm>>
      tpu.enqueue_dma source(%arg10 : memref<16x1024xf32, #tpu.memory_space<vmem>>) target(%dma_start3A_162 : memref<16x1024xf32, #tpu.memory_space<hbm>>) target_semaphore(%arg19 : memref<!tpu.dma_semaphore, #tpu.memory_space<semaphore_mem>>)
    }
    %scan3A_49 = arith.constant 8 : i32
    %dma_wait3A = arith.constant 0 : i32
    %dma_wait3A_50 = tpu.memref_slice %arg5[%mul3A_2, %dma_wait3A] : memref<16384x1024xf32, #tpu.memory_space<hbm>> -> memref<16x1024xf32, #tpu.memory_space<hbm>>
    %dma_wait3A_51 = arith.constant 0 : i32
    %dma_wait3A_52 = tpu.memref_slice %arg5[%mul3A_2, %dma_wait3A_51] : memref<16384x1024xf32, #tpu.memory_space<hbm>> -> memref<16x1024xf32, #tpu.memory_space<hbm>>
    tpu.wait_dma2 semaphore(%arg16 : memref<!tpu.dma_semaphore, #tpu.memory_space<semaphore_mem>>) src(%arg7 : memref<16x1024xf32, #tpu.memory_space<vmem>>) dst(%dma_wait3A_52 : memref<16x1024xf32, #tpu.memory_space<hbm>>)
    %dma_wait3A_53 = arith.constant 0 : i32
    %dma_wait3A_54 = tpu.memref_slice %arg5[%mul3A_2, %dma_wait3A_53] : memref<16384x1024xf32, #tpu.memory_space<hbm>> -> memref<16x1024xf32, #tpu.memory_space<hbm>>
    %dma_wait3A_55 = arith.constant 0 : i32
    %dma_wait3A_56 = tpu.memref_slice %arg5[%mul3A_2, %dma_wait3A_55] : memref<16384x1024xf32, #tpu.memory_space<hbm>> -> memref<16x1024xf32, #tpu.memory_space<hbm>>
    tpu.wait_dma2 semaphore(%arg17 : memref<!tpu.dma_semaphore, #tpu.memory_space<semaphore_mem>>) src(%arg8 : memref<16x1024xf32, #tpu.memory_space<vmem>>) dst(%dma_wait3A_56 : memref<16x1024xf32, #tpu.memory_space<hbm>>)
    %dma_wait3A_57 = arith.constant 0 : i32
    %dma_wait3A_58 = tpu.memref_slice %arg5[%mul3A_2, %dma_wait3A_57] : memref<16384x1024xf32, #tpu.memory_space<hbm>> -> memref<16x1024xf32, #tpu.memory_space<hbm>>
    %dma_wait3A_59 = arith.constant 0 : i32
    %dma_wait3A_60 = tpu.memref_slice %arg5[%mul3A_2, %dma_wait3A_59] : memref<16384x1024xf32, #tpu.memory_space<hbm>> -> memref<16x1024xf32, #tpu.memory_space<hbm>>
    tpu.wait_dma2 semaphore(%arg18 : memref<!tpu.dma_semaphore, #tpu.memory_space<semaphore_mem>>) src(%arg9 : memref<16x1024xf32, #tpu.memory_space<vmem>>) dst(%dma_wait3A_60 : memref<16x1024xf32, #tpu.memory_space<hbm>>)
    %dma_wait3A_61 = arith.constant 0 : i32
    %dma_wait3A_62 = tpu.memref_slice %arg5[%mul3A_2, %dma_wait3A_61] : memref<16384x1024xf32, #tpu.memory_space<hbm>> -> memref<16x1024xf32, #tpu.memory_space<hbm>>
    %dma_wait3A_63 = arith.constant 0 : i32
    %dma_wait3A_64 = tpu.memref_slice %arg5[%mul3A_2, %dma_wait3A_63] : memref<16384x1024xf32, #tpu.memory_space<hbm>> -> memref<16x1024xf32, #tpu.memory_space<hbm>>
    tpu.wait_dma2 semaphore(%arg19 : memref<!tpu.dma_semaphore, #tpu.memory_space<semaphore_mem>>) src(%arg10 : memref<16x1024xf32, #tpu.memory_space<vmem>>) dst(%dma_wait3A_64 : memref<16x1024xf32, #tpu.memory_space<hbm>>)
    return
  }
}

</mosaic_0001>

<sc_bundles>
// kernel: kernel.3.cloned.1.call-start
scs
__scs_entry_jumppad:
0x0: {  	(pc) =	sbr.rel $0x88, $3  }
0x1: {  	(tag) =	ssettag $0x0;
	lr =	simm.s32 $0x1  }
0x2: {  	[smem:$0x3F9E] =	sst lr;
	_ =	strace $0xD0000000  }
0x3: {  	_ = 	snop  }
0x4: {  	_ = 	snop  }
0x5: {  	_ = 	snop  }
0x6: {  	_ = 	snop  }
0x7: {  	_ = 	snop  }
__scs_overlays_trampoline_lowered:
0x8: {  	[smem:$0x3FAD] =	sst s0  }
0x9: {  	[smem:$0x3FAE] =	sst s1  }
0xa: {  	[smem:$0x3FAF] =	sst s2  }
0xb: {  	[smem:$0x3FB0] =	sst s3  }
0xc: {  	[smem:$0x3FB1] =	sst s4  }
0xd: {  	[smem:$0x3FB2] =	sst s5  }
0xe: {  	[smem:$0x3FB3] =	sst s6  }
0xf: {  	[smem:$0x3FB4] =	sst s7  }
0x10: {  	[smem:$0x3FB5] =	sst s8  }
0x11: {  	[smem:$0x3FB6] =	sst s9;
	s0 =	simm.s32 @!p0 $0x0  }
0x12: {  	s1 =	sld [smem:$0x3F9C];
	s0 =	simm.s32 @p0 $0x1  }
0x13: {  	[smem:$0x3FB7] =	sst s0;
	s0 =	simm.s32 @!p1 $0x0  }
0x14: {  	s2 =	sld [smem:$0x3F9B];
	s0 =	simm.s32 @p1 $0x1  }
0x15: {  	[smem:$0x3FB8] =	sst s0;
	s0 =	simm.s32 @!p2 $0x0  }
0x16: {  	s3 =	sld [smem:$0x3FDB];
	s0 =	simm.s32 @p2 $0x1  }
0x17: {  	s4 =	simm.s32 $0x1BF5;
	[smem:$0x3FBA] =	sst s0  }
0x18: {  	s0 =	sld [smem:$0x3F9D];
	_ =	swait.ge [sflag:s4], $0x0  }
0x19: {  	s7 =	sld [smem:$0x3F9E]  }
0x1a: {  	s8 =	sadd.s32 $0xFFFFE003, lr  }
0x1b: {  	s9 =	sadd.s32 $0xFFFFFEF7, lr;
	s5 =	simm.s32 $0xFFFFFFFF;
	p2 =	slt.u32 s8, $0xFFFFF086  }
0x1c: {  	p1 =	slt.u32 s9, $0xF7A;
	s5 =	simm.s32 @!p2 $0x0  }
0x1d: {  	s5 =	simm.s32 @p1 $0x1;
	p0 =	seq.s32 s7, s2  }
0x1e: {  	s7 =	smul.u32 @!p0 $0xF7A, s2;
	p2 =	seq.s32 @!p0 s5, $0x0  }
0x1f: {  	s9 =	smul.u32 $0xF7A, s1;
	s8 =	simm.s32 @!p0 $0x1BF5;
	p2 =	por !p2, p0  }
0x20: {  	[sflag:s8] =	ssyncset.s32 @!p0 $0xFFFFF086;
	s6 =	sadd.s32 @!p0 s3, s7;
	s7 =	simm.s32 @!p0 $0x108  }
0x21: {  	s3 =	sadd.s32 s3, s9;
	s6 =	sadd.s32 @!p0 $0x88, s6;
	s7 =	simm.s32 @p2 $0x1082  }
0x22: {  	[simem:s7], [sflag:s8] =	dma.local @!p0 [hbm:s6], $0xF7A  }
0x23: {  	s9 =	sor.u32 $0xD0000000, s2;
	s6 =	simm.s32 $0x108;
	_ =	swait.ge @!p0 [sflag:s8], $0x0  }
0x24: {  	s3 =	sadd.s32 $0x88, s3;
	s6 =	simm.s32 @!p1 $0x1082;
	[sflag:s4] =	ssyncset.s32 $0xFFFFF086  }
0x25: {  	[simem:s6], [sflag:s4] =	dma.local [hbm:s3], $0xF7A  }
0x26: {  	[smem:$0x3F9E] =	sst s1;
	(tag) =	ssettag s2;
	_ =	strace s9  }
0x27: {  	s1 =	sld [smem:$0x3FAE]  }
0x28: {  	s2 =	sld [smem:$0x3FAF]  }
0x29: {  	s4 =	sld [smem:$0x3FB1]  }
0x2a: {  	p0 =	seq.s32 s5, $0x0;
	s5 =	sld [smem:$0x3FB2]  }
0x2b: {  	s6 =	sld [smem:$0x3FB3]  }
0x2c: {  	s7 =	sld [smem:$0x3FB4]  }
0x2d: {  	s3 =	simm.s32 $0x108;
	s8 =	sld [smem:$0x3FB5]  }
0x2e: {  	s3 =	simm.s32 @!p0 $0x1082;
	s9 =	sld [smem:$0x3FB6]  }
0x2f: {  	lr =	sadd.s32 s0, s3;
	s0 =	sld [smem:$0x3FAD]  }
0x30: {  	s3 =	sld [smem:$0x3FB0]  }
0x31: {  	[smem:$0x3FB9] =	sst s10  }
0x32: {  	s10 =	sld [smem:$0x3FB7];
	_ =	sdelay $0x3  }
0x33: {  	p0 =	seq.s32 s10, $0x1;
	s10 =	sld [smem:$0x3FB9];
	_ =	sdelay $0x3  }
0x34: {  	[smem:$0x3FB9] =	sst s10  }
0x35: {  	s10 =	sld [smem:$0x3FB8];
	_ =	sdelay $0x3  }
0x36: {  	p1 =	seq.s32 s10, $0x1;
	s10 =	sld [smem:$0x3FB9];
	_ =	sdelay $0x3  }
0x37: {  	[smem:$0x3FB9] =	sst s10  }
0x38: {  	s10 =	sld [smem:$0x3FBA]  }
0x39: {  	_ = 	snop;
	(pc) =	sbr.ind lr, $3  }
0x3a: {  	_ = 	snop  }
0x3b: {  	_ = 	snop  }
0x3c: {  	p2 =	seq.s32 s10, $0x1;
	s10 =	sld [smem:$0x3FB9]  }
0x3d: {  	_ =	shalt  }
0x3e: {  	_ =	shalt  }
0x3f: {  	_ =	shalt  }
0x40: {  	_ =	shalt  }
0x41: {  	_ =	shalt  }
0x42: {  	_ =	shalt  }
0x43: {  	_ =	shalt  }
0x44: {  	_ =	shalt  }
0x45: {  	_ =	shalt  }
0x46: {  	_ =	shalt  }
0x47: {  	_ =	shalt  }
0x48: {  	_ =	shalt  }
0x49: {  	_ =	shalt  }
0x4a: {  	_ =	shalt  }
0x4b: {  	_ =	shalt  }
0x4c: {  	_ =	shalt  }
0x4d: {  	_ =	shalt  }
0x4e: {  	_ =	shalt  }
0x4f: {  	_ =	shalt  }
0x50: {  	_ =	shalt  }
0x51: {  	_ =	shalt  }
0x52: {  	_ =	shalt  }
0x53: {  	_ =	shalt  }
0x54: {  	_ =	shalt  }
0x55: {  	_ =	shalt  }
0x56: {  	_ =	shalt  }
0x57: {  	_ =	shalt  }
0x58: {  	_ =	shalt  }
0x59: {  	_ =	shalt  }
0x5a: {  	_ =	shalt  }
0x5b: {  	_ =	shalt  }
0x5c: {  	_ =	shalt  }
0x5d: {  	_ =	shalt  }
0x5e: {  	_ =	shalt  }
0x5f: {  	_ =	shalt  }
0x60: {  	_ =	shalt  }
0x61: {  	_ =	shalt  }
0x62: {  	_ =	shalt  }
0x63: {  	_ =	shalt  }
0x64: {  	_ =	shalt  }
0x65: {  	_ =	shalt  }
0x66: {  	_ =	shalt  }
0x67: {  	_ =	shalt  }
0x68: {  	_ =	shalt  }
0x69: {  	_ =	shalt  }
0x6a: {  	_ =	shalt  }
0x6b: {  	_ =	shalt  }
0x6c: {  	_ =	shalt  }
0x6d: {  	_ =	shalt  }
0x6e: {  	_ =	shalt  }
0x6f: {  	_ =	shalt  }
0x70: {  	_ =	shalt  }
0x71: {  	_ =	shalt  }
0x72: {  	_ =	shalt  }
0x73: {  	_ =	shalt  }
0x74: {  	_ =	shalt  }
0x75: {  	_ =	shalt  }
0x76: {  	_ =	shalt  }
0x77: {  	_ =	shalt  }
0x78: {  	_ =	shalt  }
0x79: {  	_ =	shalt  }
0x7a: {  	_ =	shalt  }
0x7b: {  	_ =	shalt  }
0x7c: {  	_ =	shalt  }
0x7d: {  	_ =	shalt  }
0x7e: {  	_ =	shalt  }
0x7f: {  	_ =	shalt  }
0x80: {  	_ =	shalt  }
0x81: {  	_ =	shalt  }
0x82: {  	_ =	shalt  }
0x83: {  	_ =	shalt  }
0x84: {  	_ =	shalt  }
0x85: {  	_ =	shalt  }
0x86: {  	_ =	shalt  }
0x87: {  	_ =	shalt  }
.Lfunc_end0:
.L_simem_size_0:
called_computation_lowered:
.L_overlay_start_0:
0x88: {  	s2 =	sld [smem:$0x3FD9]  }
0x89: {  	s3 =	sld [smem:$0x3FFE];
	_ =	sdelay $0x1  }
0x8a: {  	s1 =	srdreg.scid  }
0x8b: {  	s0 =	sand.u32 $0x1, s1  }
0x8c: {  	s17 =	sshll.u32 s0, $0xA;
	s2 =	sadd.s32 s3, s2  }
0x8d: {  	s2 =	sadd.s32 s2, s17  }
0x8e: {  	[smem:$0x3FC5] =	sst s2  }
0x8f: {  	_ = 	snop  }
0x90: {  	s2 =	sld [smem:$0x3FC9]  }
0x91: {  	s18 =	sld [smem:$0x3FC7]  }
0x92: {  	s4 =	sld [smem:$0x3FD0];
	(tm) =	ssettm $0x1  }
0x93: {  	s5 =	sld [smem:$0x3FFB];
	_ =	sdelay $0x3  }
0x94: {  	_ =	strace s5  }
0x95: {  	s5 =	sld [smem:$0x3FFC];
	_ =	sdelay $0x3  }
0x96: {  	_ =	strace s5  }
0x97: {  	s5 =	sld [smem:$0x3FFD];
	_ =	sdelay $0x3  }
0x98: {  	_ =	strace s5  }
0x99: {  	_ =	strace $0x8FFFFFFF  }
0x9a: {  	s19 =	sld [smem:$0x3FDB];
	_ =	sdelay $0x1  }
0x9b: {  	s6 =	simm.s32 $_scs_section_size  }
0x9c: {  	s7 =	simm.s32 $_size__tile_overlayer_lowered;
	s8 =	simm.s32 $_tile_overlayer_lowered  }
0x9d: {  	s22 =	simm.s32 $0x1BFF;
	s21 =	sshll.u32 s8, $0x1;
	s5 =	sadd.s32 s6, s19  }
0x9e: {  	s9 =	simm.s32 $0x0;
	s20 =	sshll.u32 s7, $0x1;
	s7 =	sadd.s32 s21, s5  }
0x9f: {  	[timem:s9], [sflag:s22] =	dma.local [hbm:s7], s20  }
0xa0: {  	_ =	swait.ge [sflag:s22], s20  }
0xa1: {  	s6 =	ssub.s32 $0x0, s20;
	[sflag:s22] =	ssyncset.done $0x0  }
0xa2: {  	[sflag:s22] =	ssyncadd.s32 s6;
	_ =	sdelay $0x1  }
0xa3: {  	s23 =	simm.s32 $0x1B8B  }
0xa4: {  	_ =	swait.ge [sflag:s23], $0x1  }
0xa5: {  	[sflag:s23] =	ssyncset.done $0x0  }
0xa6: {  	s25 =	simm.s32 $0x1B8E;
	s24 =	sld [smem:$0x3FFE];
	[sflag:s23] =	ssyncadd.s32 $0xFFFFFFFF  }
0xa7: {  	s26 =	simm.s32 $execute0_lowered;
	[smem:$0x3FD2] =	sst s25  }
0xa8: {  	s7 =	sshll.u32 s26, $0x1;
	_ =	strace $0x80000046;
	[dreg:$0x1] =	wrdreg $0xFFFFFFFF  }
0xa9: {  	s28 =	simm.s32 $_size_execute0_lowered;
	s5 =	sadd.s32 s5, s7;
	[dreg:$0x0] =	wrdreg $0x0  }
0xaa: {  	s7 =	sshll.u32 s28, $0x1;
	[dreg:$0x2] =	wrdreg s5  }
0xab: {  	[dreg:$0x3] =	wrdreg s7  }
0xac: {  	[dreg:$0x4] =	wrdreg $0xC0  }
0xad: {  	_ =	task [dreg:s9], $0x5FFFF  }
0xae: {  	[dreg:$0x1] =	wrdreg $0xFFFFFFFF  }
0xaf: {  	[dreg:$0x0] =	wrdreg $0x60  }
0xb0: {  	[dreg:$0x2] =	wrdreg s18  }
0xb1: {  	[dreg:$0x3] =	wrdreg s2  }
0xb2: {  	[dreg:$0x4] =	wrdreg s24  }
0xb3: {  	[dreg:$0x5] =	wrdreg s4  }
0xb4: {  	[dreg:$0x6] =	wrdreg $0x9  }
0xb5: {  	_ =	task.clear_ibuf [dreg:s9], $0x7FFFF;
	_ =	strace $0x90000046  }
0xb6: {  	s29 =	simm.s32 $0x9;
	_ =	strace $0x80000048  }
0xb7: {  	_ =	swait.ge [sflag:s29], $0x1  }
0xb8: {  	[sflag:s29] =	ssyncadd.s32 $0xFFFFFFFF  }
0xb9: {  	_ =	strace $0x90000048  }
0xba: {  	_ =	sfence  }
0xbb: {  	s30 =	sld [smem:$0x0];
	_ =	sdelay $0x2  }
0xbc: {  	s31 =	sshll.u32 s1, $0xD;
	s1 =	sshrl.u32 s1, $0x2  }
0xbd: {  	s3 =	sand.u32 $0x4000, s31;
	s1 =	sadd.s32 s1, s30  }
0xbe: {  	s0 =	sor.u32 s3, s0;
	s1 =	sshll.u32 s1, $0x11  }
0xbf: {  	s0 =	sor.u32 s1, s0  }
0xc0: {  	s0 =	sadd.s32 $0x8F2B, s0  }
0xc1: {  	[sflag:s0] =	ssyncadd.remote.s32 $0x1  }
0xc2: {  	_ =	sfence.sel $0xFFFF  }
0xc3: {  	[dreg:$0x0] =	wrdreg $0xFFFFFFFF;
	(pc) =	sbr.abs _section_cstart, $3  }
0xc4: {  	[dreg:$0x1] =	wrdreg $0xFFFFFFFF  }
0xc5: {  	_ =	task.clear_ibuf [dreg:s9], $0x2FFFF;
	_ =	strace $0x9FFFFFFF  }
0xc6: {  	(tm) =	ssettm $0x7FFFFFFF  }
0xc7: {  	_ =	shalt  }
tec
execute0_lowered:
.L_overlay_start_1:
0x0: {  	(tag) =	ssettag $0x1  }
0x1: {  	s1 =	rddreg [dreg:$0x0]  }
0x2: {  	s0 =	rddreg [dreg:$0x1]  }
0x3: {  	s2 =	rddreg [dreg:$0x2]  }
0x4: {  	s4 =	rddreg [dreg:$0x3]  }
0x5: {  	s3 =	simm.s32 $0x0;
	s5 =	srdreg.scid;
	s7 =	stileid.u32  }
0x6: {  	s12 =	simm.s32 $0x200;
	s31 =	simm.s32 $0x8200;
	s18 =	simm.s32 $0x1  }
0x7: {  	s19 =	simm.s32 $0xC200;
	s28 =	simm.s32 $0xFA00;
	s29 =	simm.s32 $0x2  }
0x8: {  	s30 =	simm.s32 $0x3;
	[smem:$0x7FF] =	sst s3;
	s2 =	sadd.s32 $0x400, s2  }
0x9: {  	s21 =	sand.u32 $0x1, s5;
	s22 =	sshll.u32 s7, $0x1;
	s23 =	sshll.u32 s7, $0x2  }
0xa: {  	s7 =	sadd.s32 $0x200, s1;
	_ =	strace $0x80000047;
	[dreg:$0x5] =	wrdreg s2  }
0xb: {  	s6 =	ssub.s32 $0x2, s21;
	s2 =	sor.u32 s21, s22;
	s5 =	sand.u32 $0x30, s23  }
0xc: {  	s22 =	simm.s32 $0x4200;
	s21 =	simm.s32 $0xD200;
	s23 =	simm.s32 $0xDA00  }
0xd: {  	s24 =	sshrl.u32 s6, $0x1;
	s8 =	sshll.u32 s2, $0x8;
	s0 =	sadd.s32 s0, s5  }
0xe: {  	s2 =	sshll.u32 s2, $0x10;
	s5 =	simm.s32 $0x0;
	s10 =	ssub.s32 s6, s24  }
0xf: {  	s25 =	sand.u32 $0x700, s8;
	s6 =	sadd.s32 $0x100, s1;
	s8 =	sadd.s32 $0x300, s1  }
0x10: {  	v2 =	vlaneseq.u32;
	s9 =	sadd.s32 s4, s2;
	s24 =	simm.s32 $0xE200;
	s0 =	sadd.s32 s25, s0  }
0x11: {  	vm0 =	vmmov $0xffff;
	v1 =	vshrl.u32 v2, $0x3;
	s4 =	simm.s32 $0x4;
	s26 =	smax.u32 s10, $0x1;
	[dreg:$0x6] =	wrdreg s0  }
0x12: {  	v0 =	vand.u32 $0x7, v2;
	v2 =	vor.u32 $0x8, v2;
	v1 =	vmul.u32 $0x8, v1;
	s25 =	simm.s32 $0xEA00;
	[dreg:$0x7] =	wrdreg s26;
	s26 =	simm.s32 $0xF200  }
.LBB2_1:
0x13: {  	[dreg:$0x8] =	wrdreg s5  }
0x14: {  	s0 =	rddreg [dreg:$0x6];
	s2 =	simm.s32 $0x80;
	s11 =	simm.s32 $0x9  }
0x15: {  	[tilespmem:s3], [sflag:$0x9] =	stream.strided.gather [hbm4b:s0+s2], $0x200, s12, s2, $0x38;
	[tilespmem:$0x10280] =	vst v63  }
0x16: {  	_ =	swait.ge [sflag:s11], $0x200  }
0x17: {  	[sflag:s11] =	ssyncset.done $0x0  }
0x18: {  	s14 =	simm.s32 $0x10200;
	s13 =	rddreg [dreg:$0x5];
	[sflag:s11] =	ssyncadd.s32 $0xFFFFFE00  }
0x19: {  	[tilespmem:s14], [sflag:$0x9] =	stream.linear.gather [hbm4b:s13+s3], $0x80, $0x38;
	[tilespmem:$0x10280] =	vst v63  }
0x1a: {  	_ =	swait.ge [sflag:s11], $0x80  }
0x1b: {  	[sflag:s11] =	ssyncset.done $0x0  }
0x1c: {  	[sflag:s11] =	ssyncadd.s32 $0xFFFFFF80  }
0x1d: {  	v3 =	vld [tilespmem:$0x0];
	_ =	sdelay $0x4  }
0x1e: {  	v4 =	vshll.u32 v3, $0x3  }
0x1f: {  	v3 =	vand.u32 $0x7, v3;
	v4 =	vand.u32 $0xFFFFFFC0, v4  }
0x20: {  	v4 =	vor.u32 v3, v4  }
0x21: {  	v3 =	vperm.xlane v4, v0;
	_ =	sdelay $0x1  }
0x22: {  	v5 =	vadd.s32 v1, v3;
	_ =	sdelay $0x4  }
0x23: {  	v3 =	vld [tilespmem:$0x10200];
	[tilespmem:s12], [sflag:$0x1] =	stream.indirect_vreg.gather [hbm4b:s1+s3], $0x80, v5, vm0, $0xb8  }
0x24: {  	s15 =	simm.s32 $0xA00;
	v4 =	vperm.xlane v4, v2  }
0x25: {  	[tilespmem:s15], [sflag:$0x1] =	stream.indirect_vreg.gather [hbm4b:s6+s3], $0x80, v5, vm0, $0xb8;
	[tilespmem:$0x10280] =	vst v63  }
0x26: {  	s16 =	simm.s32 $0x1200;
	v4 =	vadd.s32 v1, v4  }
0x27: {  	[tilespmem:s16], [sflag:$0x1] =	stream.indirect_vreg.gather [hbm4b:s7+s3], $0x80, v5, vm0, $0xb8;
	[tilespmem:$0x10280] =	vst v63  }
0x28: {  	s17 =	simm.s32 $0x1A00  }
0x29: {  	[tilespmem:s17], [sflag:$0x1] =	stream.indirect_vreg.gather [hbm4b:s8+s3], $0x80, v5, vm0, $0xb8;
	[tilespmem:$0x10280] =	vst v63  }
0x2a: {  	s20 =	simm.s32 $0x2200  }
0x2b: {  	[tilespmem:s20], [sflag:$0x1] =	stream.indirect_vreg.gather [hbm4b:s1+s3], $0x80, v4, vm0, $0xb8;
	[tilespmem:$0x10280] =	vst v63  }
0x2c: {  	s2 =	simm.s32 $0x2A00  }
0x2d: {  	[tilespmem:s2], [sflag:$0x1] =	stream.indirect_vreg.gather [hbm4b:s6+s3], $0x80, v4, vm0, $0xb8;
	[tilespmem:$0x10280] =	vst v63  }
0x2e: {  	s5 =	simm.s32 $0x3200  }
0x2f: {  	[tilespmem:s5], [sflag:$0x1] =	stream.indirect_vreg.gather [hbm4b:s7+s3], $0x80, v4, vm0, $0xb8;
	[tilespmem:$0x10280] =	vst v63  }
0x30: {  	s10 =	simm.s32 $0x3A00  }
0x31: {  	[tilespmem:s10], [sflag:$0x1] =	stream.indirect_vreg.gather [hbm4b:s8+s3], $0x80, v4, vm0, $0xb8;
	[tilespmem:$0x10280] =	vst v63  }
0x32: {  	v4 =	vld [tilespmem:$0x10];
	_ =	sdelay $0x4  }
0x33: {  	v5 =	vshll.u32 v4, $0x3  }
0x34: {  	v4 =	vand.u32 $0x7, v4;
	v5 =	vand.u32 $0xFFFFFFC0, v5  }
0x35: {  	v4 =	vor.u32 v4, v5  }
0x36: {  	v5 =	vperm.xlane v4, v0;
	_ =	sdelay $0x1  }
0x37: {  	v5 =	vadd.s32 v1, v5;
	_ =	sdelay $0x4  }
0x38: {  	[tilespmem:s22], [sflag:$0x2] =	stream.indirect_vreg.gather [hbm4b:s1+s3], $0x80, v5, vm0, $0xb8;
	[tilespmem:$0x10280] =	vst v63  }
0x39: {  	s11 =	simm.s32 $0x4A00;
	v4 =	vperm.xlane v4, v2  }
0x3a: {  	[tilespmem:s11], [sflag:$0x2] =	stream.indirect_vreg.gather [hbm4b:s6+s3], $0x80, v5, vm0, $0xb8;
	[tilespmem:$0x10280] =	vst v63  }
0x3b: {  	s13 =	simm.s32 $0x5200;
	v4 =	vadd.s32 v1, v4  }
0x3c: {  	[tilespmem:s13], [sflag:$0x2] =	stream.indirect_vreg.gather [hbm4b:s7+s3], $0x80, v5, vm0, $0xb8;
	[tilespmem:$0x10280] =	vst v63  }
0x3d: {  	s14 =	simm.s32 $0x5A00  }
0x3e: {  	[tilespmem:s14], [sflag:$0x2] =	stream.indirect_vreg.gather [hbm4b:s8+s3], $0x80, v5, vm0, $0xb8;
	[tilespmem:$0x10280] =	vst v63  }
0x3f: {  	s15 =	simm.s32 $0x6200  }
0x40: {  	[tilespmem:s15], [sflag:$0x2] =	stream.indirect_vreg.gather [hbm4b:s1+s3], $0x80, v4, vm0, $0xb8;
	[tilespmem:$0x10280] =	vst v63  }
0x41: {  	s16 =	simm.s32 $0x6A00  }
0x42: {  	[tilespmem:s16], [sflag:$0x2] =	stream.indirect_vreg.gather [hbm4b:s6+s3], $0x80, v4, vm0, $0xb8;
	[tilespmem:$0x10280] =	vst v63  }
0x43: {  	s17 =	simm.s32 $0x7200  }
0x44: {  	[tilespmem:s17], [sflag:$0x2] =	stream.indirect_vreg.gather [hbm4b:s7+s3], $0x80, v4, vm0, $0xb8;
	[tilespmem:$0x10280] =	vst v63  }
0x45: {  	s20 =	simm.s32 $0x7A00;
	s10 =	simm.s32 $0x0  }
0x46: {  	[tilespmem:s20], [sflag:$0x2] =	stream.indirect_vreg.gather [hbm4b:s8+s3], $0x80, v4, vm0, $0xb8;
	[tilespmem:$0x10280] =	vst v63  }
.LBB2_2:
0x47: {  	p0 =	seq.s32 s10, $0x0  }
0x48: {  	s0 =	sshll.u32 s10, $0x2;
	s2 =	simm.s32 @!p0 $0x7  }
0x49: {  	s5 =	sor.u32 $0x2, s0;
	_ =	swait.ge @!p0 [sflag:s2], $0x4000  }
0x4a: {  	s11 =	sshll.u32 s5, $0x4;
	[sflag:s2] =	ssyncset.done @!p0 $0x0  }
0x4b: {  	s15 =	sand.u32 $0x3FFFFFF0, s11;
	[sflag:s2] =	ssyncadd.s32 @!p0 $0xFFFFC000  }
0x4c: {  	v4 =	vld [tilespmem:s15+$0x0];
	_ =	sdelay $0x4  }
0x4d: {  	v5 =	vshll.u32 v4, $0x3  }
0x4e: {  	v4 =	vand.u32 $0x7, v4;
	v5 =	vand.u32 $0xFFFFFFC0, v5  }
0x4f: {  	v4 =	vor.u32 v4, v5  }
0x50: {  	v5 =	vperm.xlane v4, v0;
	_ =	sdelay $0x1  }
0x51: {  	v5 =	vadd.s32 v1, v5;
	_ =	sdelay $0x3  }
0x52: {  	s2 =	simm.s32 $0x0  }
0x53: {  	[tilespmem:s31], [sflag:$0x3] =	stream.indirect_vreg.gather [hbm4b:s1+s2], $0x80, v5, vm0, $0xb8;
	[tilespmem:$0x10280] =	vst v63  }
0x54: {  	s16 =	simm.s32 $0x8A00;
	v4 =	vperm.xlane v4, v2  }
0x55: {  	[tilespmem:s16], [sflag:$0x3] =	stream.indirect_vreg.gather [hbm4b:s6+s2], $0x80, v5, vm0, $0xb8;
	[tilespmem:$0x10280] =	vst v63  }
0x56: {  	s17 =	simm.s32 $0x9200;
	v4 =	vadd.s32 v1, v4  }
0x57: {  	[tilespmem:s17], [sflag:$0x3] =	stream.indirect_vreg.gather [hbm4b:s7+s2], $0x80, v5, vm0, $0xb8;
	[tilespmem:$0x10280] =	vst v63  }
0x58: {  	s20 =	simm.s32 $0x9A00  }
0x59: {  	[tilespmem:s20], [sflag:$0x3] =	stream.indirect_vreg.gather [hbm4b:s8+s2], $0x80, v5, vm0, $0xb8;
	[tilespmem:$0x10280] =	vst v63  }
0x5a: {  	s13 =	simm.s32 $0xA200  }
0x5b: {  	[tilespmem:s13], [sflag:$0x3] =	stream.indirect_vreg.gather [hbm4b:s1+s2], $0x80, v4, vm0, $0xb8;
	[tilespmem:$0x10280] =	vst v63  }
0x5c: {  	s14 =	simm.s32 $0xAA00  }
0x5d: {  	[tilespmem:s14], [sflag:$0x3] =	stream.indirect_vreg.gather [hbm4b:s6+s2], $0x80, v4, vm0, $0xb8;
	[tilespmem:$0x10280] =	vst v63  }
0x5e: {  	s15 =	simm.s32 $0xB200;
	s17 =	simm.s32 $0x0  }
0x5f: {  	[tilespmem:s15], [sflag:$0x3] =	stream.indirect_vreg.gather [hbm4b:s7+s2], $0x80, v4, vm0, $0xb8;
	[tilespmem:$0x10280] =	vst v63  }
0x60: {  	s16 =	simm.s32 $0xBA00;
	s11 =	sand.u32 $0x2000, s17  }
0x61: {  	[tilespmem:s16], [sflag:$0x3] =	stream.indirect_vreg.gather [hbm4b:s8+s2], $0x80, v4, vm0, $0xb8;
	[tilespmem:$0x10280] =	vst v63  }
0x62: {  	s13 =	simm.s32 $0x0;
	s2 =	sand.u32 $0x1C00, s2;
	_ =	swait.ge [sflag:s18], $0x4000  }
0x63: {  	s13 =	sand.u32 $0x380, s13;
	s2 =	sor.u32 s2, s11;
	[sflag:s18] =	ssyncset.done $0x0  }
0x64: {  	s13 =	sor.u32 s2, s13;
	[sflag:s18] =	ssyncadd.s32 $0xFFFFC000  }
0x65: {  	v4 =	vld [tilespmem:s13+$0x270]  }
0x66: {  	v5 =	vld [tilespmem:s13+$0x200]  }
0x67: {  	v6 =	vld [tilespmem:s13+$0x210]  }
0x68: {  	v7 =	vld [tilespmem:s13+$0x220]  }
0x69: {  	s20 =	simm.s32 $0x80;
	s11 =	simm.s32 $0x400;
	v9 =	vld [tilespmem:s13+$0x230]  }
0x6a: {  	s15 =	simm.s32 $0x10;
	s2 =	sand.u32 $0x2000, s20;
	s14 =	sand.u32 $0x1C00, s11;
	v11 =	vld [tilespmem:s13+$0x240];
	v4 =	vmul.f32 v4, v3  }
0x6b: {  	s15 =	sand.u32 $0x380, s15;
	s2 =	sor.u32 s14, s2;
	v8 =	vld [tilespmem:s13+$0x250];
	v5 =	vmul.f32 v5, v3  }
0x6c: {  	s2 =	sor.u32 s2, s15;
	v10 =	vmul.f32 v6, v3;
	v6 =	vld [tilespmem:s13+$0x260];
	[tilespmem:s13+$0x270] =	vst v4  }
0x6d: {  	v12 =	vmul.f32 v7, v3;
	v4 =	vld [tilespmem:s2+$0x270];
	[tilespmem:s13+$0x200] =	vst v5  }
0x6e: {  	v5 =	vld [tilespmem:s2+$0x200];
	[tilespmem:s13+$0x210] =	vst v10;
	v10 =	vmul.f32 v9, v3  }
0x6f: {  	s14 =	simm.s32 $0x8;
	v7 =	vld [tilespmem:s2+$0x210];
	[tilespmem:s13+$0x220] =	vst v12;
	v9 =	vmul.f32 v11, v3  }
.LBB2_3:
0x70: {  	s14 =	sadd.s32 $0x8, s14;
	v11 =	vld [tilespmem:s2+$0x220];
	[tilespmem:s13+$0x230] =	vst v10;
	v8 =	vmul.f32 v8, v3  }
0x71: {  	s11 =	sadd.s32 $0x400, s11;
	s15 =	sshll.u32 s14, $0x4;
	p1 =	slt.u32 s14, $0x3F8;
	v10 =	vld [tilespmem:s2+$0x230];
	[tilespmem:s13+$0x240] =	vst v9;
	v6 =	vmul.f32 v6, v3  }
0x72: {  	s16 =	sand.u32 $0x1C00, s11;
	s17 =	sshll.u32 s14, $0x1;
	s15 =	sand.u32 $0x2000, s15;
	v9 =	vld [tilespmem:s2+$0x240];
	v4 =	vmul.f32 v4, v3;
	[tilespmem:s13+$0x250] =	vst v8  }
.Ltmp0:
0x73: {  	s17 =	sand.u32 $0x380, s17;
	s15 =	sor.u32 s16, s15;
	v5 =	vmul.f32 v5, v3;
	v8 =	vld [tilespmem:s2+$0x250];
	[tilespmem:s13+$0x260] =	vst v6;
	(pc) =	sbr.rel @p1 .LBB2_3-.Ltmp0, $4  }
0x74: {  	s13 =	smov.u32 s2;
	v7 =	vmul.f32 v7, v3;
	v6 =	vld [tilespmem:s2+$0x260];
	[tilespmem:s2+$0x270] =	vst v4;
	s2 =	sor.u32 s15, s17  }
0x75: {  	v4 =	vld [tilespmem:s2+$0x270];
	[tilespmem:s13+$0x200] =	vst v5;
	v11 =	vmul.f32 v11, v3  }
0x76: {  	v5 =	vld [tilespmem:s2+$0x200];
	[tilespmem:s13+$0x210] =	vst v7;
	v10 =	vmul.f32 v10, v3  }
0x77: {  	v7 =	vld [tilespmem:s2+$0x210];
	[tilespmem:s13+$0x220] =	vst v11;
	v9 =	vmul.f32 v9, v3  }
0x78: {  	v11 =	vld [tilespmem:s2+$0x220];
	[tilespmem:s13+$0x230] =	vst v10;
	v8 =	vmul.f32 v8, v3  }
0x79: {  	v10 =	vld [tilespmem:s2+$0x230];
	[tilespmem:s13+$0x240] =	vst v9;
	v6 =	vmul.f32 v6, v3  }
0x7a: {  	v9 =	vld [tilespmem:s2+$0x240];
	v4 =	vmul.f32 v4, v3;
	[tilespmem:s13+$0x250] =	vst v8  }
0x7b: {  	v8 =	vld [tilespmem:s2+$0x250];
	v5 =	vmul.f32 v5, v3;
	[tilespmem:s13+$0x260] =	vst v6  }
0x7c: {  	v6 =	vmul.f32 v7, v3;
	v7 =	vld [tilespmem:s2+$0x260];
	[tilespmem:s2+$0x270] =	vst v4  }
0x7d: {  	[tilespmem:s2+$0x200] =	vst v5;
	v4 =	vmul.f32 v11, v3  }
0x7e: {  	v5 =	vmul.f32 v10, v3;
	[tilespmem:s2+$0x210] =	vst v6  }
0x7f: {  	[tilespmem:s2+$0x220] =	vst v4;
	v4 =	vmul.f32 v9, v3  }
0x80: {  	[tilespmem:s2+$0x230] =	vst v5;
	v5 =	vmul.f32 v8, v3  }
0x81: {  	[tilespmem:s2+$0x240] =	vst v4;
	v4 =	vmul.f32 v7, v3  }
0x82: {  	s11 =	sshll.u32 s10, $0xD;
	[tilespmem:s2+$0x250] =	vst v5  }
0x83: {  	[tilespmem:s2+$0x260] =	vst v4;
	s2 =	sadd.s32 s11, s9;
	s11 =	simm.s32 @!p0 $0x8  }
0x84: {  	[hbm4b:s2+s3] =	stream.linear.scatter [tilespmem:s12], [sflag:$0x5], $0x4000, $0x38;
	[tilespmem:$0x10280] =	vst v63  }
0x85: {  	s13 =	sor.u32 $0x3, s0;
	_ =	swait.ge @!p0 [sflag:s11], $0x4000  }
0x86: {  	s0 =	sshll.u32 s13, $0x4;
	[sflag:s11] =	ssyncset.done @!p0 $0x0  }
0x87: {  	s0 =	sand.u32 $0x3FFFFFF0, s0;
	[sflag:s11] =	ssyncadd.s32 @!p0 $0xFFFFC000  }
0x88: {  	v4 =	vld [tilespmem:s0+$0x0];
	_ =	sdelay $0x4  }
0x89: {  	v5 =	vshll.u32 v4, $0x3  }
0x8a: {  	v4 =	vand.u32 $0x7, v4;
	v5 =	vand.u32 $0xFFFFFFC0, v5  }
0x8b: {  	v4 =	vor.u32 v4, v5  }
0x8c: {  	v5 =	vperm.xlane v4, v0;
	_ =	sdelay $0x1  }
0x8d: {  	v5 =	vadd.s32 v1, v5;
	_ =	sdelay $0x3  }
0x8e: {  	s15 =	simm.s32 $0x0  }
0x8f: {  	[tilespmem:s19], [sflag:$0x4] =	stream.indirect_vreg.gather [hbm4b:s1+s15], $0x80, v5, vm0, $0xb8;
	[tilespmem:$0x10280] =	vst v63  }
0x90: {  	s16 =	simm.s32 $0xCA00;
	v4 =	vperm.xlane v4, v2  }
0x91: {  	[tilespmem:s16], [sflag:$0x4] =	stream.indirect_vreg.gather [hbm4b:s6+s15], $0x80, v5, vm0, $0xb8;
	[tilespmem:$0x10280] =	vst v63  }
0x92: {  	v4 =	vadd.s32 v1, v4  }
0x93: {  	[tilespmem:s21], [sflag:$0x4] =	stream.indirect_vreg.gather [hbm4b:s7+s15], $0x80, v5, vm0, $0xb8;
	[tilespmem:$0x10280] =	vst v63  }
0x94: {  	_ = 	snop  }
0x95: {  	[tilespmem:s23], [sflag:$0x4] =	stream.indirect_vreg.gather [hbm4b:s8+s15], $0x80, v5, vm0, $0xb8;
	[tilespmem:$0x10280] =	vst v63  }
0x96: {  	_ = 	snop  }
0x97: {  	[tilespmem:s24], [sflag:$0x4] =	stream.indirect_vreg.gather [hbm4b:s1+s15], $0x80, v4, vm0, $0xb8;
	[tilespmem:$0x10280] =	vst v63  }
0x98: {  	_ = 	snop  }
0x99: {  	[tilespmem:s25], [sflag:$0x4] =	stream.indirect_vreg.gather [hbm4b:s6+s15], $0x80, v4, vm0, $0xb8;
	[tilespmem:$0x10280] =	vst v63  }
0x9a: {  	_ = 	snop  }
0x9b: {  	[tilespmem:s26], [sflag:$0x4] =	stream.indirect_vreg.gather [hbm4b:s7+s15], $0x80, v4, vm0, $0xb8;
	[tilespmem:$0x10280] =	vst v63  }
0x9c: {  	s17 =	simm.s32 $0x0;
	s14 =	simm.s32 $0x0  }
0x9d: {  	[tilespmem:s28], [sflag:$0x4] =	stream.indirect_vreg.gather [hbm4b:s8+s15], $0x80, v4, vm0, $0xb8;
	[tilespmem:$0x10280] =	vst v63  }
0x9e: {  	s11 =	sand.u32 $0x2000, s17;
	s0 =	sand.u32 $0x1C00, s15;
	_ =	swait.ge [sflag:s29], $0x4000  }
0x9f: {  	s14 =	sand.u32 $0x380, s14;
	s0 =	sor.u32 s0, s11;
	[sflag:s29] =	ssyncset.done $0x0  }
0xa0: {  	s11 =	sor.u32 s0, s14;
	[sflag:s29] =	ssyncadd.s32 $0xFFFFC000  }
0xa1: {  	v4 =	vld [tilespmem:s11+$0x4270]  }
0xa2: {  	v5 =	vld [tilespmem:s11+$0x4200]  }
0xa3: {  	v6 =	vld [tilespmem:s11+$0x4210]  }
0xa4: {  	v7 =	vld [tilespmem:s11+$0x4220]  }
0xa5: {  	s20 =	simm.s32 $0x80;
	s14 =	simm.s32 $0x400;
	v9 =	vld [tilespmem:s11+$0x4230]  }
0xa6: {  	s0 =	sand.u32 $0x2000, s20;
	s16 =	simm.s32 $0x10;
	s15 =	sand.u32 $0x1C00, s14;
	v11 =	vld [tilespmem:s11+$0x4240];
	v4 =	vmul.f32 v4, v3  }
0xa7: {  	s16 =	sand.u32 $0x380, s16;
	s0 =	sor.u32 s15, s0;
	v8 =	vld [tilespmem:s11+$0x4250];
	v5 =	vmul.f32 v5, v3  }
0xa8: {  	s0 =	sor.u32 s0, s16;
	v10 =	vmul.f32 v6, v3;
	v6 =	vld [tilespmem:s11+$0x4260];
	[tilespmem:s11+$0x4270] =	vst v4  }
0xa9: {  	v12 =	vmul.f32 v7, v3;
	v4 =	vld [tilespmem:s0+$0x4270];
	[tilespmem:s11+$0x4200] =	vst v5  }
0xaa: {  	v5 =	vld [tilespmem:s0+$0x4200];
	[tilespmem:s11+$0x4210] =	vst v10;
	v10 =	vmul.f32 v9, v3  }
0xab: {  	s15 =	simm.s32 $0x8;
	v7 =	vld [tilespmem:s0+$0x4210];
	[tilespmem:s11+$0x4220] =	vst v12;
	v9 =	vmul.f32 v11, v3  }
.LBB2_5:
0xac: {  	s15 =	sadd.s32 $0x8, s15;
	v11 =	vld [tilespmem:s0+$0x4220];
	[tilespmem:s11+$0x4230] =	vst v10;
	v8 =	vmul.f32 v8, v3  }
0xad: {  	s14 =	sadd.s32 $0x400, s14;
	s16 =	sshll.u32 s15, $0x4;
	p0 =	slt.u32 s15, $0x3F8;
	v10 =	vld [tilespmem:s0+$0x4230];
	[tilespmem:s11+$0x4240] =	vst v9;
	v6 =	vmul.f32 v6, v3  }
0xae: {  	s17 =	sand.u32 $0x1C00, s14;
	s20 =	sshll.u32 s15, $0x1;
	s16 =	sand.u32 $0x2000, s16;
	v9 =	vld [tilespmem:s0+$0x4240];
	v4 =	vmul.f32 v4, v3;
	[tilespmem:s11+$0x4250] =	vst v8  }
.Ltmp1:
0xaf: {  	s20 =	sand.u32 $0x380, s20;
	s16 =	sor.u32 s17, s16;
	v5 =	vmul.f32 v5, v3;
	v8 =	vld [tilespmem:s0+$0x4250];
	[tilespmem:s11+$0x4260] =	vst v6;
	(pc) =	sbr.rel @p0 .LBB2_5-.Ltmp1, $4  }
0xb0: {  	s11 =	smov.u32 s0;
	v7 =	vmul.f32 v7, v3;
	v6 =	vld [tilespmem:s0+$0x4260];
	[tilespmem:s0+$0x4270] =	vst v4;
	s0 =	sor.u32 s16, s20  }
0xb1: {  	v4 =	vld [tilespmem:s0+$0x4270];
	[tilespmem:s11+$0x4200] =	vst v5;
	v11 =	vmul.f32 v11, v3  }
0xb2: {  	v5 =	vld [tilespmem:s0+$0x4200];
	[tilespmem:s11+$0x4210] =	vst v7;
	v10 =	vmul.f32 v10, v3  }
0xb3: {  	v7 =	vld [tilespmem:s0+$0x4210];
	[tilespmem:s11+$0x4220] =	vst v11;
	v9 =	vmul.f32 v9, v3  }
0xb4: {  	v11 =	vld [tilespmem:s0+$0x4220];
	[tilespmem:s11+$0x4230] =	vst v10;
	v8 =	vmul.f32 v8, v3  }
0xb5: {  	v10 =	vld [tilespmem:s0+$0x4230];
	[tilespmem:s11+$0x4240] =	vst v9;
	v6 =	vmul.f32 v6, v3  }
0xb6: {  	v9 =	vld [tilespmem:s0+$0x4240];
	v4 =	vmul.f32 v4, v3;
	[tilespmem:s11+$0x4250] =	vst v8  }
0xb7: {  	v8 =	vld [tilespmem:s0+$0x4250];
	v5 =	vmul.f32 v5, v3;
	[tilespmem:s11+$0x4260] =	vst v6  }
0xb8: {  	v6 =	vmul.f32 v7, v3;
	v7 =	vld [tilespmem:s0+$0x4260];
	[tilespmem:s0+$0x4270] =	vst v4  }
0xb9: {  	[tilespmem:s0+$0x4200] =	vst v5;
	v4 =	vmul.f32 v11, v3  }
0xba: {  	v5 =	vmul.f32 v10, v3;
	[tilespmem:s0+$0x4210] =	vst v6  }
0xbb: {  	[tilespmem:s0+$0x4220] =	vst v4;
	v4 =	vmul.f32 v9, v3  }
0xbc: {  	[tilespmem:s0+$0x4230] =	vst v5;
	v5 =	vmul.f32 v8, v3  }
0xbd: {  	[tilespmem:s0+$0x4240] =	vst v4;
	v4 =	vmul.f32 v7, v3  }
0xbe: {  	p0 =	seq.s32 s10, $0x7;
	[tilespmem:s0+$0x4250] =	vst v5  }
0xbf: {  	s15 =	sadd.s32 $0x800, s2;
	[tilespmem:s0+$0x4260] =	vst v4;
	s0 =	simm.s32 @!p0 $0x5  }
0xc0: {  	[hbm4b:s15+s3] =	stream.linear.scatter [tilespmem:s22], [sflag:$0x6], $0x4000, $0x38;
	[tilespmem:$0x10280] =	vst v63  }
0xc1: {  	_ =	swait.ge @!p0 [sflag:s0], $0x4000  }
0xc2: {  	s2 =	sshll.u32 @!p0 s10, $0x6;
	[sflag:s0] =	ssyncset.done @!p0 $0x0  }
0xc3: {  	[sflag:s0] =	ssyncadd.s32 @!p0 $0xFFFFC000;
	s0 =	sand.u32 @!p0 $0x3FFFFFC0, s2  }
0xc4: {  	v4 =	vld @!p0 [tilespmem:s0+$0x40];
	_ =	sdelay $0x4  }
0xc5: {  	v5 =	vshll.u32 @!p0 v4, $0x3  }
0xc6: {  	v6 =	vlaneseq.u32 @!p0;
	v4 =	vand.u32 @!p0 $0x7, v4;
	v5 =	vand.u32 @!p0 $0xFFFFFFC0, v5  }
0xc7: {  	v7 =	vshrl.u32 @!p0 v6, $0x3;
	v4 =	vor.u32 @!p0 v4, v5;
	v5 =	vand.u32 @!p0 $0x7, v6  }
0xc8: {  	v7 =	vmul.u32 @!p0 $0x8, v7;
	v5 =	vperm.xlane @!p0 v4, v5;
	_ =	sdelay $0x1  }
0xc9: {  	v5 =	vadd.s32 @!p0 v7, v5;
	_ =	sdelay $0x3  }
0xca: {  	vm1 =	vmmov @!p0 $0xffff;
	s11 =	simm.s32 @!p0 $0x200;
	s2 =	simm.s32 @!p0 $0x0  }
0xcb: {  	v6 =	vor.u32 @!p0 $0x8, v6;
	[tilespmem:s11], [sflag:$0x1] =	stream.indirect_vreg.gather @!p0 [hbm4b:s1+s2], $0x80, v5, vm1, $0xb8;
	[tilespmem:$0x10280] =	vst v63  }
0xcc: {  	v4 =	vperm.xlane @!p0 v4, v6;
	s11 =	simm.s32 @!p0 $0xA00  }
0xcd: {  	[tilespmem:s11], [sflag:$0x1] =	stream.indirect_vreg.gather @!p0 [hbm4b:s6+s2], $0x80, v5, vm1, $0xb8;
	[tilespmem:$0x10280] =	vst v63  }
0xce: {  	v4 =	vadd.s32 @!p0 v7, v4;
	s11 =	simm.s32 @!p0 $0x1200  }
0xcf: {  	[tilespmem:s11], [sflag:$0x1] =	stream.indirect_vreg.gather @!p0 [hbm4b:s7+s2], $0x80, v5, vm1, $0xb8;
	[tilespmem:$0x10280] =	vst v63  }
0xd0: {  	s11 =	simm.s32 @!p0 $0x1A00  }
0xd1: {  	[tilespmem:s11], [sflag:$0x1] =	stream.indirect_vreg.gather @!p0 [hbm4b:s8+s2], $0x80, v5, vm1, $0xb8;
	[tilespmem:$0x10280] =	vst v63  }
0xd2: {  	s11 =	simm.s32 @!p0 $0x2200  }
0xd3: {  	[tilespmem:s11], [sflag:$0x1] =	stream.indirect_vreg.gather @!p0 [hbm4b:s1+s2], $0x80, v4, vm1, $0xb8;
	[tilespmem:$0x10280] =	vst v63  }
0xd4: {  	s11 =	simm.s32 @!p0 $0x2A00  }
0xd5: {  	[tilespmem:s11], [sflag:$0x1] =	stream.indirect_vreg.gather @!p0 [hbm4b:s6+s2], $0x80, v4, vm1, $0xb8;
	[tilespmem:$0x10280] =	vst v63  }
0xd6: {  	s16 =	simm.s32 $0x0;
	s11 =	simm.s32 @!p0 $0x3200  }
0xd7: {  	[tilespmem:s11], [sflag:$0x1] =	stream.indirect_vreg.gather @!p0 [hbm4b:s7+s2], $0x80, v4, vm1, $0xb8;
	[tilespmem:$0x10280] =	vst v63  }
0xd8: {  	s17 =	simm.s32 $0x0;
	s14 =	simm.s32 $0x0;
	s11 =	simm.s32 @!p0 $0x3A00  }
0xd9: {  	[tilespmem:s11], [sflag:$0x1] =	stream.indirect_vreg.gather @!p0 [hbm4b:s8+s2], $0x80, v4, vm1, $0xb8;
	[tilespmem:$0x10280] =	vst v63  }
0xda: {  	s11 =	sand.u32 $0x2000, s17;
	s2 =	sand.u32 $0x1C00, s16;
	_ =	swait.ge [sflag:s30], $0x4000  }
0xdb: {  	s14 =	sand.u32 $0x380, s14;
	s2 =	sor.u32 s2, s11;
	[sflag:s30] =	ssyncset.done $0x0  }
0xdc: {  	s11 =	sor.u32 s2, s14;
	[sflag:s30] =	ssyncadd.s32 $0xFFFFC000  }
0xdd: {  	v4 =	vld [tilespmem:s11+$0x8270]  }
0xde: {  	v5 =	vld [tilespmem:s11+$0x8200]  }
0xdf: {  	v6 =	vld [tilespmem:s11+$0x8210]  }
0xe0: {  	v7 =	vld [tilespmem:s11+$0x8220]  }
0xe1: {  	s20 =	simm.s32 $0x80;
	s14 =	simm.s32 $0x400;
	v9 =	vld [tilespmem:s11+$0x8230]  }
0xe2: {  	s16 =	simm.s32 $0x10;
	s2 =	sand.u32 $0x2000, s20;
	s15 =	sand.u32 $0x1C00, s14;
	v11 =	vld [tilespmem:s11+$0x8240];
	v4 =	vmul.f32 v4, v3  }
0xe3: {  	s16 =	sand.u32 $0x380, s16;
	s2 =	sor.u32 s15, s2;
	v8 =	vld [tilespmem:s11+$0x8250];
	v5 =	vmul.f32 v5, v3  }
0xe4: {  	s2 =	sor.u32 s2, s16;
	v10 =	vmul.f32 v6, v3;
	v6 =	vld [tilespmem:s11+$0x8260];
	[tilespmem:s11+$0x8270] =	vst v4  }
0xe5: {  	v12 =	vmul.f32 v7, v3;
	v4 =	vld [tilespmem:s2+$0x8270];
	[tilespmem:s11+$0x8200] =	vst v5  }
0xe6: {  	v5 =	vld [tilespmem:s2+$0x8200];
	[tilespmem:s11+$0x8210] =	vst v10;
	v10 =	vmul.f32 v9, v3  }
0xe7: {  	s15 =	simm.s32 $0x8;
	v7 =	vld [tilespmem:s2+$0x8210];
	[tilespmem:s11+$0x8220] =	vst v12;
	v9 =	vmul.f32 v11, v3  }
.LBB2_7:
0xe8: {  	s15 =	sadd.s32 $0x8, s15;
	v11 =	vld [tilespmem:s2+$0x8220];
	[tilespmem:s11+$0x8230] =	vst v10;
	v8 =	vmul.f32 v8, v3  }
0xe9: {  	s14 =	sadd.s32 $0x400, s14;
	s16 =	sshll.u32 s15, $0x4;
	p1 =	slt.u32 s15, $0x3F8;
	v10 =	vld [tilespmem:s2+$0x8230];
	[tilespmem:s11+$0x8240] =	vst v9;
	v6 =	vmul.f32 v6, v3  }
0xea: {  	s17 =	sand.u32 $0x1C00, s14;
	s20 =	sshll.u32 s15, $0x1;
	s16 =	sand.u32 $0x2000, s16;
	v9 =	vld [tilespmem:s2+$0x8240];
	v4 =	vmul.f32 v4, v3;
	[tilespmem:s11+$0x8250] =	vst v8  }
.Ltmp2:
0xeb: {  	s20 =	sand.u32 $0x380, s20;
	s16 =	sor.u32 s17, s16;
	v5 =	vmul.f32 v5, v3;
	v8 =	vld [tilespmem:s2+$0x8250];
	[tilespmem:s11+$0x8260] =	vst v6;
	(pc) =	sbr.rel @p1 .LBB2_7-.Ltmp2, $4  }
0xec: {  	s11 =	smov.u32 s2;
	v7 =	vmul.f32 v7, v3;
	v6 =	vld [tilespmem:s2+$0x8260];
	[tilespmem:s2+$0x8270] =	vst v4;
	s2 =	sor.u32 s16, s20  }
0xed: {  	v4 =	vld [tilespmem:s2+$0x8270];
	[tilespmem:s11+$0x8200] =	vst v5;
	v11 =	vmul.f32 v11, v3  }
0xee: {  	v5 =	vld [tilespmem:s2+$0x8200];
	[tilespmem:s11+$0x8210] =	vst v7;
	v10 =	vmul.f32 v10, v3  }
0xef: {  	v7 =	vld [tilespmem:s2+$0x8210];
	[tilespmem:s11+$0x8220] =	vst v11;
	v9 =	vmul.f32 v9, v3  }
0xf0: {  	v11 =	vld [tilespmem:s2+$0x8220];
	[tilespmem:s11+$0x8230] =	vst v10;
	v8 =	vmul.f32 v8, v3  }
0xf1: {  	v10 =	vld [tilespmem:s2+$0x8230];
	[tilespmem:s11+$0x8240] =	vst v9;
	v6 =	vmul.f32 v6, v3  }
0xf2: {  	v9 =	vld [tilespmem:s2+$0x8240];
	v4 =	vmul.f32 v4, v3;
	[tilespmem:s11+$0x8250] =	vst v8  }
0xf3: {  	v8 =	vld [tilespmem:s2+$0x8250];
	v5 =	vmul.f32 v5, v3;
	[tilespmem:s11+$0x8260] =	vst v6  }
0xf4: {  	v6 =	vmul.f32 v7, v3;
	v7 =	vld [tilespmem:s2+$0x8260];
	[tilespmem:s2+$0x8270] =	vst v4  }
0xf5: {  	[tilespmem:s2+$0x8200] =	vst v5;
	v4 =	vmul.f32 v11, v3  }
0xf6: {  	v5 =	vmul.f32 v10, v3;
	[tilespmem:s2+$0x8210] =	vst v6  }
0xf7: {  	[tilespmem:s2+$0x8220] =	vst v4;
	v4 =	vmul.f32 v9, v3  }
0xf8: {  	[tilespmem:s2+$0x8230] =	vst v5;
	v5 =	vmul.f32 v8, v3  }
0xf9: {  	[tilespmem:s2+$0x8240] =	vst v4;
	v4 =	vmul.f32 v7, v3  }
0xfa: {  	s5 =	sshll.u32 s5, $0xB;
	[tilespmem:s2+$0x8250] =	vst v5  }
0xfb: {  	s11 =	sadd.s32 s5, s9;
	[tilespmem:s2+$0x8260] =	vst v4;
	s2 =	simm.s32 @!p0 $0x6  }
0xfc: {  	[hbm4b:s11+s3] =	stream.linear.scatter [tilespmem:s31], [sflag:$0x7], $0x4000, $0x38;
	[tilespmem:$0x10280] =	vst v63  }
0xfd: {  	_ =	swait.ge @!p0 [sflag:s2], $0x4000  }
0xfe: {  	[sflag:s2] =	ssyncset.done @!p0 $0x0  }
0xff: {  	[sflag:s2] =	ssyncadd.s32 @!p0 $0xFFFFC000  }
0x100: {  	v4 =	vld @!p0 [tilespmem:s0+$0x50];
	_ =	sdelay $0x4  }
0x101: {  	v5 =	vshll.u32 @!p0 v4, $0x3  }
0x102: {  	v6 =	vlaneseq.u32 @!p0;
	v4 =	vand.u32 @!p0 $0x7, v4;
	v5 =	vand.u32 @!p0 $0xFFFFFFC0, v5  }
0x103: {  	v7 =	vshrl.u32 @!p0 v6, $0x3;
	v4 =	vor.u32 @!p0 v4, v5;
	v5 =	vand.u32 @!p0 $0x7, v6  }
0x104: {  	v7 =	vmul.u32 @!p0 $0x8, v7;
	v5 =	vperm.xlane @!p0 v4, v5;
	_ =	sdelay $0x1  }
0x105: {  	v5 =	vadd.s32 @!p0 v7, v5;
	_ =	sdelay $0x3  }
0x106: {  	s2 =	simm.s32 @!p0 $0x4200;
	s0 =	simm.s32 @!p0 $0x0  }
0x107: {  	v6 =	vor.u32 @!p0 $0x8, v6;
	[tilespmem:s2], [sflag:$0x2] =	stream.indirect_vreg.gather @!p0 [hbm4b:s1+s0], $0x80, v5, vm1, $0xb8;
	[tilespmem:$0x10280] =	vst v63  }
0x108: {  	v4 =	vperm.xlane @!p0 v4, v6;
	s2 =	simm.s32 @!p0 $0x4A00  }
0x109: {  	[tilespmem:s2], [sflag:$0x2] =	stream.indirect_vreg.gather @!p0 [hbm4b:s6+s0], $0x80, v5, vm1, $0xb8;
	[tilespmem:$0x10280] =	vst v63  }
0x10a: {  	v4 =	vadd.s32 @!p0 v7, v4;
	s2 =	simm.s32 @!p0 $0x5200  }
0x10b: {  	[tilespmem:s2], [sflag:$0x2] =	stream.indirect_vreg.gather @!p0 [hbm4b:s7+s0], $0x80, v5, vm1, $0xb8;
	[tilespmem:$0x10280] =	vst v63  }
0x10c: {  	s2 =	simm.s32 @!p0 $0x5A00  }
0x10d: {  	[tilespmem:s2], [sflag:$0x2] =	stream.indirect_vreg.gather @!p0 [hbm4b:s8+s0], $0x80, v5, vm1, $0xb8;
	[tilespmem:$0x10280] =	vst v63  }
0x10e: {  	s2 =	simm.s32 @!p0 $0x6200  }
0x10f: {  	[tilespmem:s2], [sflag:$0x2] =	stream.indirect_vreg.gather @!p0 [hbm4b:s1+s0], $0x80, v4, vm1, $0xb8;
	[tilespmem:$0x10280] =	vst v63  }
0x110: {  	s2 =	simm.s32 @!p0 $0x6A00  }
0x111: {  	[tilespmem:s2], [sflag:$0x2] =	stream.indirect_vreg.gather @!p0 [hbm4b:s6+s0], $0x80, v4, vm1, $0xb8;
	[tilespmem:$0x10280] =	vst v63  }
0x112: {  	s14 =	simm.s32 $0x0;
	s2 =	simm.s32 @!p0 $0x7200  }
0x113: {  	[tilespmem:s2], [sflag:$0x2] =	stream.indirect_vreg.gather @!p0 [hbm4b:s7+s0], $0x80, v4, vm1, $0xb8;
	[tilespmem:$0x10280] =	vst v63  }
0x114: {  	s15 =	simm.s32 $0x0;
	s16 =	simm.s32 $0x0;
	s2 =	simm.s32 @!p0 $0x7A00  }
0x115: {  	[tilespmem:s2], [sflag:$0x2] =	stream.indirect_vreg.gather @!p0 [hbm4b:s8+s0], $0x80, v4, vm1, $0xb8;
	[tilespmem:$0x10280] =	vst v63  }
0x116: {  	s2 =	sand.u32 $0x2000, s15;
	s0 =	sand.u32 $0x1C00, s14;
	_ =	swait.ge [sflag:s4], $0x4000  }
0x117: {  	s5 =	sand.u32 $0x380, s16;
	s0 =	sor.u32 s0, s2;
	[sflag:s4] =	ssyncset.done $0x0  }
0x118: {  	s2 =	sor.u32 s0, s5;
	[sflag:s4] =	ssyncadd.s32 $0xFFFFC000  }
0x119: {  	v4 =	vld [tilespmem:s2+$0xC270]  }
0x11a: {  	v5 =	vld [tilespmem:s2+$0xC200]  }
0x11b: {  	v6 =	vld [tilespmem:s2+$0xC210]  }
0x11c: {  	v7 =	vld [tilespmem:s2+$0xC220]  }
0x11d: {  	s17 =	simm.s32 $0x80;
	s5 =	simm.s32 $0x400;
	v9 =	vld [tilespmem:s2+$0xC230]  }
0x11e: {  	s14 =	simm.s32 $0x10;
	s0 =	sand.u32 $0x2000, s17;
	s20 =	sand.u32 $0x1C00, s5;
	v11 =	vld [tilespmem:s2+$0xC240];
	v4 =	vmul.f32 v4, v3  }
0x11f: {  	s14 =	sand.u32 $0x380, s14;
	s0 =	sor.u32 s20, s0;
	v8 =	vld [tilespmem:s2+$0xC250];
	v5 =	vmul.f32 v5, v3  }
0x120: {  	s0 =	sor.u32 s0, s14;
	v10 =	vmul.f32 v6, v3;
	v6 =	vld [tilespmem:s2+$0xC260];
	[tilespmem:s2+$0xC270] =	vst v4  }
0x121: {  	v12 =	vmul.f32 v7, v3;
	v4 =	vld [tilespmem:s0+$0xC270];
	[tilespmem:s2+$0xC200] =	vst v5  }
0x122: {  	v5 =	vld [tilespmem:s0+$0xC200];
	[tilespmem:s2+$0xC210] =	vst v10;
	v10 =	vmul.f32 v9, v3  }
0x123: {  	s11 =	simm.s32 $0x8;
	v7 =	vld [tilespmem:s0+$0xC210];
	[tilespmem:s2+$0xC220] =	vst v12;
	v9 =	vmul.f32 v11, v3  }
.LBB2_9:
0x124: {  	s11 =	sadd.s32 $0x8, s11;
	v11 =	vld [tilespmem:s0+$0xC220];
	[tilespmem:s2+$0xC230] =	vst v10;
	v8 =	vmul.f32 v8, v3  }
0x125: {  	s5 =	sadd.s32 $0x400, s5;
	s14 =	sshll.u32 s11, $0x4;
	p0 =	slt.u32 s11, $0x3F8;
	v10 =	vld [tilespmem:s0+$0xC230];
	[tilespmem:s2+$0xC240] =	vst v9;
	v6 =	vmul.f32 v6, v3  }
0x126: {  	s15 =	sand.u32 $0x1C00, s5;
	s16 =	sshll.u32 s11, $0x1;
	s14 =	sand.u32 $0x2000, s14;
	v9 =	vld [tilespmem:s0+$0xC240];
	v4 =	vmul.f32 v4, v3;
	[tilespmem:s2+$0xC250] =	vst v8  }
.Ltmp3:
0x127: {  	s16 =	sand.u32 $0x380, s16;
	s14 =	sor.u32 s15, s14;
	v5 =	vmul.f32 v5, v3;
	v8 =	vld [tilespmem:s0+$0xC250];
	[tilespmem:s2+$0xC260] =	vst v6;
	(pc) =	sbr.rel @p0 .LBB2_9-.Ltmp3, $4  }
0x128: {  	s2 =	smov.u32 s0;
	v7 =	vmul.f32 v7, v3;
	v6 =	vld [tilespmem:s0+$0xC260];
	[tilespmem:s0+$0xC270] =	vst v4;
	s0 =	sor.u32 s14, s16  }
0x129: {  	v4 =	vld [tilespmem:s0+$0xC270];
	[tilespmem:s2+$0xC200] =	vst v5;
	v11 =	vmul.f32 v11, v3  }
0x12a: {  	v5 =	vld [tilespmem:s0+$0xC200];
	[tilespmem:s2+$0xC210] =	vst v7;
	v10 =	vmul.f32 v10, v3  }
0x12b: {  	v7 =	vld [tilespmem:s0+$0xC210];
	[tilespmem:s2+$0xC220] =	vst v11;
	v9 =	vmul.f32 v9, v3  }
0x12c: {  	v11 =	vld [tilespmem:s0+$0xC220];
	[tilespmem:s2+$0xC230] =	vst v10;
	v8 =	vmul.f32 v8, v3  }
0x12d: {  	v59 =	vld [tilespmem:s0+$0xC230];
	[tilespmem:s2+$0xC240] =	vst v9;
	v6 =	vmul.f32 v6, v3  }
0x12e: {  	v60 =	vld [tilespmem:s0+$0xC240];
	v4 =	vmul.f32 v4, v3;
	[tilespmem:s2+$0xC250] =	vst v8  }
0x12f: {  	v61 =	vld [tilespmem:s0+$0xC250];
	v5 =	vmul.f32 v5, v3;
	[tilespmem:s2+$0xC260] =	vst v6  }
0x130: {  	v63 =	vld [tilespmem:s0+$0xC260];
	v62 =	vmul.f32 v7, v3;
	[tilespmem:s0+$0xC270] =	vst v4  }
0x131: {  	[tilespmem:s0+$0xC200] =	vst v5;
	v4 =	vmul.f32 v11, v3  }
0x132: {  	s10 =	sadd.s32 $0x1, s10;
	v5 =	vmul.f32 v59, v3;
	[tilespmem:s0+$0xC210] =	vst v62  }
0x133: {  	p0 =	sne.s32 s10, $0x8;
	[tilespmem:s0+$0xC220] =	vst v4;
	v4 =	vmul.f32 v60, v3  }
.Ltmp4:
0x134: {  	[tilespmem:s0+$0xC230] =	vst v5;
	v5 =	vmul.f32 v61, v3;
	(pc) =	sbr.rel @p0 .LBB2_2-.Ltmp4, $4  }
0x135: {  	[tilespmem:s0+$0xC240] =	vst v4;
	v4 =	vmul.f32 v63, v3  }
0x136: {  	s17 =	sshll.u32 s13, $0xB;
	[tilespmem:s0+$0xC250] =	vst v5  }
0x137: {  	s20 =	sadd.s32 s17, s9;
	[tilespmem:s0+$0xC260] =	vst v4  }
0x138: {  	[hbm4b:s20+s3] =	stream.linear.scatter [tilespmem:s19], [sflag:$0x8], $0x4000, $0x38;
	[tilespmem:$0x10280] =	vst v63  }
0x139: {  	s0 =	simm.s32 $0x5  }
0x13a: {  	_ =	swait.ge [sflag:s0], $0x4000  }
0x13b: {  	[sflag:s0] =	ssyncset.done $0x0  }
0x13c: {  	s16 =	simm.s32 $0x6;
	[sflag:s0] =	ssyncadd.s32 $0xFFFFC000  }
0x13d: {  	_ =	swait.ge [sflag:s16], $0x4000  }
0x13e: {  	[sflag:s16] =	ssyncset.done $0x0  }
0x13f: {  	s17 =	simm.s32 $0x7;
	[sflag:s16] =	ssyncadd.s32 $0xFFFFC000  }
0x140: {  	_ =	swait.ge [sflag:s17], $0x4000  }
0x141: {  	[sflag:s17] =	ssyncset.done $0x0  }
0x142: {  	s2 =	simm.s32 $0x8;
	[sflag:s17] =	ssyncadd.s32 $0xFFFFC000  }
0x143: {  	_ =	swait.ge [sflag:s2], $0x4000  }
0x144: {  	s5 =	rddreg [dreg:$0x8]  }
0x145: {  	s20 =	rddreg [dreg:$0x7];
	s5 =	sadd.s32 $0x1, s5  }
0x146: {  	p0 =	sne.s32 s5, s20  }
.Ltmp5:
0x147: {  	_ = 	snop;
	(pc) =	sbr.rel @p0 .LBB2_1-.Ltmp5, $3  }
0x148: {  	_ =	sdelay $0x1  }
0x149: {  	[sflag:s2] =	ssyncset.done $0x0  }
0x14a: {  	[sflag:s2] =	ssyncadd.s32 $0xFFFFC000  }
0x14b: {  	_ =	sfence.sel $0x180000  }
0x14c: {  	[bflag:$0x0] =	sbarrier.arrive $0xFFFF  }
0x14d: {  	_ =	strace $0x90000047  }
0x14e: {  	s0 =	stileid.u32;
	[bflag:$0x2] =	sbarrier.arrive $0xFFFF  }
0x14f: {  	p0 =	sne.s32 s0, $0x0;
	s0 =	rddreg [dreg:$0x4]  }
0x150: {  	s0 =	sadd.s32 @!p0 $0x100000, s0  }
0x151: {  	[sflag:s0] =	ssyncadd.tile.s32 @!p0 $0x1;
	_ =	shalt  }
.Lfunc_end2:
_tile_overlayer_lowered:
.L_overlay_start_2:
0x152: {  	(tag) =	ssettag $0x2  }
0x153: {  	s0 =	rddreg [dreg:$0x0];
	s2 =	stileid.u32  }
0x154: {  	s1 =	rddreg [dreg:$0x1];
	p0 =	sne.s32 s2, $0x0  }
0x155: {  	s3 =	rddreg [dreg:$0x2];
	[bflag:$0x3] =	sbarrier.arrive $0xFFFF;
	s2 =	simm.s32 @!p0 $0x1C09  }
0x156: {  	[timem:s3], [sflag:s2] =	dma.local @!p0 [hbm:s0], s1  }
0x157: {  	s0 =	simm.s32 @!p0 $0x9  }
0x158: {  	_ =	swait.ge @!p0 [sflag:s0], s1  }
0x159: {  	s1 =	ssub.s32 @!p0 $0x0, s1;
	[sflag:s0] =	ssyncset.done @!p0 $0x0  }
0x15a: {  	[sflag:s0] =	ssyncadd.s32 @!p0 s1  }
0x15b: {  	[bflag:$0x3] =	sbarrier.arrive $0xFFFF  }
0x15c: {  	_ =	shalt  }

</sc_bundles>
